<compile_context>
chip_gen: v7x
topology: tpu7x:2x2x1
jax: 0.10.2.dev20260603
libtpu: 0.0.44.dev20260713+nightly
codegen_flags: <defaults>
</compile_context>

<pallas_src>
import jax
import jax.numpy as jnp
from jax import lax
from jax.experimental import pallas as pl
from jax.experimental.pallas import tpu as pltpu
from jax.experimental.pallas import tpu_sc as plsc

_BATCH = 4096
_FEAT = 4096
_NC = 2
_NS = 16
_L = 16
_NW = _NC * _NS
_ROWS_PER_W = _BATCH // _NW
_R = 4
_NIN = 4
_NOUT = 2
_NCHUNKS = _ROWS_PER_W // _R


def _shuffle_body(x_hbm, idx_hbm, out_hbm, idx_v, *bufs_and_sems):
    wid = lax.axis_index("s") * _NC + lax.axis_index("c")
    row0 = wid * _ROWS_PER_W

    in_bufs = bufs_and_sems[:_NIN]
    out_bufs = bufs_and_sems[_NIN:_NIN + _NOUT]
    in_sems = bufs_and_sems[_NIN + _NOUT:2 * _NIN + _NOUT]
    out_sems = bufs_and_sems[2 * _NIN + _NOUT:]

    def in_slice(ci):
        return x_hbm.at[pl.ds(row0 + ci * _R, _R), :]

    def out_slice(ci):
        return out_hbm.at[pl.ds(row0 + ci * _R, _R), :]

    for b in range(_NIN):
        pltpu.async_copy(in_slice(b), in_bufs[b], in_sems[b])

    pltpu.sync_copy(idx_hbm, idx_v)

    def outer(cj, carry):
        for b in range(_NIN):
            ci = cj * _NIN + b
            bo = b % _NOUT
            pltpu.make_async_copy(in_slice(ci), in_bufs[b], in_sems[b]).wait()

            @pl.when(ci >= _NOUT)
            def _wait_out():
                pltpu.make_async_copy(
                    out_bufs[bo], out_slice(ci - _NOUT), out_sems[bo]
                ).wait()

            @plsc.parallel_loop(0, _FEAT // _L, unroll=8)
            def col_body(g):
                colv = idx_v[pl.ds(g * _L, _L)]
                for r in range(_R):
                    rowv = jnp.full((_L,), r, jnp.int32)
                    vals = plsc.load_gather(in_bufs[b], [rowv, colv])
                    out_bufs[bo][r, pl.ds(g * _L, _L)] = vals

            pltpu.async_copy(out_bufs[bo], out_slice(ci), out_sems[bo])

            @pl.when(ci + _NIN < _NCHUNKS)
            def _refill():
                pltpu.async_copy(in_slice(ci + _NIN), in_bufs[b], in_sems[b])

        return carry

    lax.fori_loop(0, _NCHUNKS // _NIN, outer, 0)

    for b in range(_NOUT):
        ci = _NCHUNKS - _NOUT + b
        pltpu.make_async_copy(
            out_bufs[ci % _NOUT], out_slice(ci), out_sems[ci % _NOUT]
        ).wait()


@jax.jit
def _shuffle(x, indices):
    mesh = plsc.VectorSubcoreMesh(core_axis_name="c", subcore_axis_name="s")
    return pl.kernel(
        _shuffle_body,
        out_type=jax.ShapeDtypeStruct((_BATCH, _FEAT), jnp.float32),
        mesh=mesh,
        scratch_types=(
            [pltpu.VMEM((_FEAT,), jnp.int32)]
            + [pltpu.VMEM((_R, _FEAT), jnp.float32) for _ in range(_NIN + _NOUT)]
            + [pltpu.SemaphoreType.DMA for _ in range(_NIN + _NOUT)]
        ),
        compiler_params=pltpu.CompilerParams(
            needs_layout_passes=False, skip_device_barrier=True
        ),
    )(x, indices)


def kernel(x, indices):
    return _shuffle(x, indices)

# --- scband reference (transcript-rebuilt; emitter-appended) ---
"""Pipeline reference for scband-deterministic-shuffle-54778012893654 (READ-ONLY COPY).

The authoritative reference and input builder live on the scoring server;
editing this copy changes nothing except your own understanding.
"""

import jax, jax.numpy as jnp
import numpy as np

BATCH = 4096
FEAT = 4096

def setup_inputs(seed: int = 0) -> dict:
    key = jax.random.key(seed)
    x = jax.random.normal(key, (BATCH, FEAT), dtype=jnp.float32)
    # Deterministic shuffle parameter, mirroring np.random.shuffle in __init__
    rng = np.random.RandomState(0)
    idx = np.arange(FEAT)
    rng.shuffle(idx)
    indices = jnp.asarray(idx, dtype=jnp.int32)
    return {"x": x, "indices": indices}

def reference(x, indices):
    shape = x.shape
    xf = x.reshape(shape[0], -1)          # Flatten(start_dim=1)
    xf = jnp.take(xf, indices, axis=1)     # x[:, self._indices] gather
    return xf.reshape(shape)               # x.resize(*shape)

if __name__ == "__main__":
    import jax
    _d = setup_inputs()
    print(jax.jit(kernel)(*tuple(_d.values())))

</pallas_src>

<mosaic_0001>
#map = affine_map<(d0, d1) -> (0, 0)>
#map1 = affine_map<(d0, d1) -> (0)>
module attributes {stable_mosaic.version = 14 : i64} {
  func.func @_shuffle_body(%arg0: i32, %arg1: i32, %arg2: memref<4096x4096xf32, #tpu.memory_space<hbm>>, %arg3: memref<4096xi32, #tpu.memory_space<hbm>>, %arg4: memref<4096x4096xf32, #tpu.memory_space<hbm>>, %arg5: memref<4096xi32, #tpu.memory_space<vmem>>, %arg6: memref<4x4096xf32, #tpu.memory_space<vmem>>, %arg7: memref<4x4096xf32, #tpu.memory_space<vmem>>, %arg8: memref<4x4096xf32, #tpu.memory_space<vmem>>, %arg9: memref<4x4096xf32, #tpu.memory_space<vmem>>, %arg10: memref<4x4096xf32, #tpu.memory_space<vmem>>, %arg11: memref<4x4096xf32, #tpu.memory_space<vmem>>, %arg12: memref<!tpu.dma_semaphore, #tpu.memory_space<semaphore_mem>>, %arg13: memref<!tpu.dma_semaphore, #tpu.memory_space<semaphore_mem>>, %arg14: memref<!tpu.dma_semaphore, #tpu.memory_space<semaphore_mem>>, %arg15: memref<!tpu.dma_semaphore, #tpu.memory_space<semaphore_mem>>, %arg16: memref<!tpu.dma_semaphore, #tpu.memory_space<semaphore_mem>>, %arg17: memref<!tpu.dma_semaphore, #tpu.memory_space<semaphore_mem>>) attributes {dimension_semantics = [#tpu.dimension_semantics<core_parallel>, #tpu.dimension_semantics<subcore_parallel>], iteration_bounds = array<i64: 2, 16>, scalar_prefetch = 0 : i64, scratch_operands = 13 : i64, tpu.core_type = #tpu.core_type<sc_vector_subcore>, window_params = [{transform_indices = #map}, {transform_indices = #map1}, {transform_indices = #map}]} {
    %mul3A = arith.constant 2 : i32
    %mul3A_0 = arith.muli %arg1, %mul3A : i32
    %add3A = arith.addi %mul3A_0, %arg0 : i32
    %mul3A_1 = arith.constant 128 : i32
    %mul3A_2 = arith.muli %add3A, %mul3A_1 : i32
    %add3A_3 = arith.constant 0 : i32
    %add3A_4 = arith.addi %mul3A_2, %add3A_3 : i32
    %dma_start3A = arith.constant 0 : i32
    %dma_start3A_5 = tpu.memref_slice %arg2[%add3A_4, %dma_start3A] : memref<4096x4096xf32, #tpu.memory_space<hbm>> -> memref<4x4096xf32, #tpu.memory_space<hbm>>
    %dma_start3A_6 = arith.constant 0 : i32
    %dma_start3A_7 = tpu.memref_slice %arg2[%add3A_4, %dma_start3A_6] : memref<4096x4096xf32, #tpu.memory_space<hbm>> -> memref<4x4096xf32, #tpu.memory_space<hbm>>
    tpu.enqueue_dma source(%dma_start3A_7 : memref<4x4096xf32, #tpu.memory_space<hbm>>) target(%arg6 : memref<4x4096xf32, #tpu.memory_space<vmem>>) target_semaphore(%arg12 : memref<!tpu.dma_semaphore, #tpu.memory_space<semaphore_mem>>)
    %add3A_8 = arith.constant 4 : i32
    %add3A_9 = arith.addi %mul3A_2, %add3A_8 : i32
    %dma_start3A_10 = arith.constant 0 : i32
    %dma_start3A_11 = tpu.memref_slice %arg2[%add3A_9, %dma_start3A_10] : memref<4096x4096xf32, #tpu.memory_space<hbm>> -> memref<4x4096xf32, #tpu.memory_space<hbm>>
    %dma_start3A_12 = arith.constant 0 : i32
    %dma_start3A_13 = tpu.memref_slice %arg2[%add3A_9, %dma_start3A_12] : memref<4096x4096xf32, #tpu.memory_space<hbm>> -> memref<4x4096xf32, #tpu.memory_space<hbm>>
    tpu.enqueue_dma source(%dma_start3A_13 : memref<4x4096xf32, #tpu.memory_space<hbm>>) target(%arg7 : memref<4x4096xf32, #tpu.memory_space<vmem>>) target_semaphore(%arg13 : memref<!tpu.dma_semaphore, #tpu.memory_space<semaphore_mem>>)
    %add3A_14 = arith.constant 8 : i32
    %add3A_15 = arith.addi %mul3A_2, %add3A_14 : i32
    %dma_start3A_16 = arith.constant 0 : i32
    %dma_start3A_17 = tpu.memref_slice %arg2[%add3A_15, %dma_start3A_16] : memref<4096x4096xf32, #tpu.memory_space<hbm>> -> memref<4x4096xf32, #tpu.memory_space<hbm>>
    %dma_start3A_18 = arith.constant 0 : i32
    %dma_start3A_19 = tpu.memref_slice %arg2[%add3A_15, %dma_start3A_18] : memref<4096x4096xf32, #tpu.memory_space<hbm>> -> memref<4x4096xf32, #tpu.memory_space<hbm>>
    tpu.enqueue_dma source(%dma_start3A_19 : memref<4x4096xf32, #tpu.memory_space<hbm>>) target(%arg8 : memref<4x4096xf32, #tpu.memory_space<vmem>>) target_semaphore(%arg14 : memref<!tpu.dma_semaphore, #tpu.memory_space<semaphore_mem>>)
    %add3A_20 = arith.constant 12 : i32
    %add3A_21 = arith.addi %mul3A_2, %add3A_20 : i32
    %dma_start3A_22 = arith.constant 0 : i32
    %dma_start3A_23 = tpu.memref_slice %arg2[%add3A_21, %dma_start3A_22] : memref<4096x4096xf32, #tpu.memory_space<hbm>> -> memref<4x4096xf32, #tpu.memory_space<hbm>>
    %dma_start3A_24 = arith.constant 0 : i32
    %dma_start3A_25 = tpu.memref_slice %arg2[%add3A_21, %dma_start3A_24] : memref<4096x4096xf32, #tpu.memory_space<hbm>> -> memref<4x4096xf32, #tpu.memory_space<hbm>>
    tpu.enqueue_dma source(%dma_start3A_25 : memref<4x4096xf32, #tpu.memory_space<hbm>>) target(%arg9 : memref<4x4096xf32, #tpu.memory_space<vmem>>) target_semaphore(%arg15 : memref<!tpu.dma_semaphore, #tpu.memory_space<semaphore_mem>>)
    "tpu.region"() ({
      %run_scoped3A = tpu.sem_alloc : memref<!tpu.dma_semaphore, #tpu.memory_space<semaphore_mem>>
      tpu.enqueue_dma source(%arg3 : memref<4096xi32, #tpu.memory_space<hbm>>) target(%arg5 : memref<4096xi32, #tpu.memory_space<vmem>>) target_semaphore(%run_scoped3A : memref<!tpu.dma_semaphore, #tpu.memory_space<semaphore_mem>>)
      tpu.wait_dma2 semaphore(%run_scoped3A : memref<!tpu.dma_semaphore, #tpu.memory_space<semaphore_mem>>) src(%arg3 : memref<4096xi32, #tpu.memory_space<hbm>>) dst(%arg5 : memref<4096xi32, #tpu.memory_space<vmem>>)
      tpu.yield
    }) : () -> ()
    %scan3A = arith.constant 0 : i32
    %scan3A_26 = arith.constant 0 : i32
    %scan3A_27 = arith.constant 8 : i32
    %scan3A_28 = arith.addi %scan3A_26, %scan3A_27 : i32
    %scan3A_29 = arith.constant 1 : i32
    scf.for %scan3A_42 = %scan3A_26 to %scan3A_28 step %scan3A_29  : i32 {
      %mul3A_43 = arith.constant 4 : i32
      %mul3A_44 = arith.muli %scan3A_42, %mul3A_43 : i32
      %add3A_45 = arith.constant 0 : i32
      %add3A_46 = arith.addi %mul3A_44, %add3A_45 : i32
      %mul3A_47 = arith.constant 4 : i32
      %mul3A_48 = arith.muli %add3A_46, %mul3A_47 : i32
      %add3A_49 = arith.addi %mul3A_2, %mul3A_48 : i32
      %dma_wait3A_50 = arith.constant 0 : i32
      %dma_wait3A_51 = tpu.memref_slice %arg2[%add3A_49, %dma_wait3A_50] : memref<4096x4096xf32, #tpu.memory_space<hbm>> -> memref<4x4096xf32, #tpu.memory_space<hbm>>
      %dma_wait3A_52 = arith.constant 0 : i32
      %dma_wait3A_53 = tpu.memref_slice %arg2[%add3A_49, %dma_wait3A_52] : memref<4096x4096xf32, #tpu.memory_space<hbm>> -> memref<4x4096xf32, #tpu.memory_space<hbm>>
      tpu.wait_dma2 semaphore(%arg12 : memref<!tpu.dma_semaphore, #tpu.memory_space<semaphore_mem>>) src(%dma_wait3A_53 : memref<4x4096xf32, #tpu.memory_space<hbm>>) dst(%arg6 : memref<4x4096xf32, #tpu.memory_space<vmem>>)
      %ge3A = arith.constant 2 : i32
      %ge3A_54 = arith.cmpi sge, %add3A_46, %ge3A : i32
      %convert_element_type3A = arith.extui %ge3A_54 : i1 to i32
      %cond3A = arith.constant 0 : i32
      %cond3A_55 = arith.cmpi ne, %convert_element_type3A, %cond3A : i32
      scf.if %cond3A_55 {
        %sub3A = arith.constant 2 : i32
        %sub3A_170 = arith.subi %add3A_46, %sub3A : i32
        %mul3A_171 = arith.constant 4 : i32
        %mul3A_172 = arith.muli %sub3A_170, %mul3A_171 : i32
        %add3A_173 = arith.addi %mul3A_2, %mul3A_172 : i32
        %dma_wait3A_174 = arith.constant 0 : i32
        %dma_wait3A_175 = tpu.memref_slice %arg4[%add3A_173, %dma_wait3A_174] : memref<4096x4096xf32, #tpu.memory_space<hbm>> -> memref<4x4096xf32, #tpu.memory_space<hbm>>
        %dma_wait3A_176 = arith.constant 0 : i32
        %dma_wait3A_177 = tpu.memref_slice %arg4[%add3A_173, %dma_wait3A_176] : memref<4096x4096xf32, #tpu.memory_space<hbm>> -> memref<4x4096xf32, #tpu.memory_space<hbm>>
        tpu.wait_dma2 semaphore(%arg16 : memref<!tpu.dma_semaphore, #tpu.memory_space<semaphore_mem>>) src(%arg10 : memref<4x4096xf32, #tpu.memory_space<vmem>>) dst(%dma_wait3A_177 : memref<4x4096xf32, #tpu.memory_space<hbm>>)
      } else {
      }
      %parallel_loop3A = arith.constant 0 : i32
      %parallel_loop3A_56 = arith.constant 256 : i32
      %parallel_loop3A_57 = arith.constant 1 : i32
      scf.for %parallel_loop3A_170 = %parallel_loop3A to %parallel_loop3A_56 step %parallel_loop3A_57  : i32 {
        %parallel_loop3A_171 = arith.constant 16 : i32
        %parallel_loop3A_172 = arith.muli %parallel_loop3A_170, %parallel_loop3A_171 : i32
        %parallel_loop3A_173 = arith.index_cast %parallel_loop3A_172 : i32 to index
        %parallel_loop3A_174 = tpu.vector_load %arg5[%parallel_loop3A_173] {strides = array<i32>} : memref<4096xi32, #tpu.memory_space<vmem>>, vector<16xi32>,
        %parallel_loop3A_175 = arith.constant 0 : i32
        %parallel_loop3A_176 = vector.broadcast %parallel_loop3A_175 : i32 to vector<16xi32>
        %parallel_loop3A_177 = tpu.vector_load_idx %arg6[%parallel_loop3A_176, %parallel_loop3A_174] : memref<4x4096xf32, #tpu.memory_space<vmem>>[vector<16xi32>, vector<16xi32>], vector<16xf32>,
        %parallel_loop3A_178 = arith.constant 16 : i32
        %parallel_loop3A_179 = arith.muli %parallel_loop3A_170, %parallel_loop3A_178 : i32
        %parallel_loop3A_180 = arith.constant 0 : i32
        %parallel_loop3A_181 = arith.index_cast %parallel_loop3A_180 : i32 to index
        %parallel_loop3A_182 = arith.index_cast %parallel_loop3A_179 : i32 to index
        %parallel_loop3A_183 = tpu.vector_load %arg10[%parallel_loop3A_181, %parallel_loop3A_182] {strides = array<i32>} : memref<4x4096xf32, #tpu.memory_space<vmem>>, vector<16xf32>,
        tpu.vector_store %arg10[%parallel_loop3A_181, %parallel_loop3A_182], %parallel_loop3A_177 {strides = array<i32>} : memref<4x4096xf32, #tpu.memory_space<vmem>>, vector<16xf32>,
        %parallel_loop3A_184 = arith.constant 1 : i32
        %parallel_loop3A_185 = vector.broadcast %parallel_loop3A_184 : i32 to vector<16xi32>
        %parallel_loop3A_186 = tpu.vector_load_idx %arg6[%parallel_loop3A_185, %parallel_loop3A_174] : memref<4x4096xf32, #tpu.memory_space<vmem>>[vector<16xi32>, vector<16xi32>], vector<16xf32>,
        %parallel_loop3A_187 = arith.constant 16 : i32
        %parallel_loop3A_188 = arith.muli %parallel_loop3A_170, %parallel_loop3A_187 : i32
        %parallel_loop3A_189 = arith.constant 1 : i32
        %parallel_loop3A_190 = arith.index_cast %parallel_loop3A_189 : i32 to index
        %parallel_loop3A_191 = arith.index_cast %parallel_loop3A_188 : i32 to index
        %parallel_loop3A_192 = tpu.vector_load %arg10[%parallel_loop3A_190, %parallel_loop3A_191] {strides = array<i32>} : memref<4x4096xf32, #tpu.memory_space<vmem>>, vector<16xf32>,
        tpu.vector_store %arg10[%parallel_loop3A_190, %parallel_loop3A_191], %parallel_loop3A_186 {strides = array<i32>} : memref<4x4096xf32, #tpu.memory_space<vmem>>, vector<16xf32>,
        %parallel_loop3A_193 = arith.constant 2 : i32
        %parallel_loop3A_194 = vector.broadcast %parallel_loop3A_193 : i32 to vector<16xi32>
        %parallel_loop3A_195 = tpu.vector_load_idx %arg6[%parallel_loop3A_194, %parallel_loop3A_174] : memref<4x4096xf32, #tpu.memory_space<vmem>>[vector<16xi32>, vector<16xi32>], vector<16xf32>,
        %parallel_loop3A_196 = arith.constant 16 : i32
        %parallel_loop3A_197 = arith.muli %parallel_loop3A_170, %parallel_loop3A_196 : i32
        %parallel_loop3A_198 = arith.constant 2 : i32
        %parallel_loop3A_199 = arith.index_cast %parallel_loop3A_198 : i32 to index
        %parallel_loop3A_200 = arith.index_cast %parallel_loop3A_197 : i32 to index
        %parallel_loop3A_201 = tpu.vector_load %arg10[%parallel_loop3A_199, %parallel_loop3A_200] {strides = array<i32>} : memref<4x4096xf32, #tpu.memory_space<vmem>>, vector<16xf32>,
        tpu.vector_store %arg10[%parallel_loop3A_199, %parallel_loop3A_200], %parallel_loop3A_195 {strides = array<i32>} : memref<4x4096xf32, #tpu.memory_space<vmem>>, vector<16xf32>,
        %parallel_loop3A_202 = arith.constant 3 : i32
        %parallel_loop3A_203 = vector.broadcast %parallel_loop3A_202 : i32 to vector<16xi32>
        %parallel_loop3A_204 = tpu.vector_load_idx %arg6[%parallel_loop3A_203, %parallel_loop3A_174] : memref<4x4096xf32, #tpu.memory_space<vmem>>[vector<16xi32>, vector<16xi32>], vector<16xf32>,
        %parallel_loop3A_205 = arith.constant 16 : i32
        %parallel_loop3A_206 = arith.muli %parallel_loop3A_170, %parallel_loop3A_205 : i32
        %parallel_loop3A_207 = arith.constant 3 : i32
        %parallel_loop3A_208 = arith.index_cast %parallel_loop3A_207 : i32 to index
        %parallel_loop3A_209 = arith.index_cast %parallel_loop3A_206 : i32 to index
        %parallel_loop3A_210 = tpu.vector_load %arg10[%parallel_loop3A_208, %parallel_loop3A_209] {strides = array<i32>} : memref<4x4096xf32, #tpu.memory_space<vmem>>, vector<16xf32>,
        tpu.vector_store %arg10[%parallel_loop3A_208, %parallel_loop3A_209], %parallel_loop3A_204 {strides = array<i32>} : memref<4x4096xf32, #tpu.memory_space<vmem>>, vector<16xf32>,
      } {sc.loop_unroll_factor = 8 : i64, sc.parallel_access}
      %mul3A_58 = arith.constant 4 : i32
      %mul3A_59 = arith.muli %add3A_46, %mul3A_58 : i32
      %add3A_60 = arith.addi %mul3A_2, %mul3A_59 : i32
      %dma_start3A_61 = arith.constant 0 : i32
      %dma_start3A_62 = tpu.memref_slice %arg4[%add3A_60, %dma_start3A_61] : memref<4096x4096xf32, #tpu.memory_space<hbm>> -> memref<4x4096xf32, #tpu.memory_space<hbm>>
      %dma_start3A_63 = arith.constant 0 : i32
      %dma_start3A_64 = tpu.memref_slice %arg4[%add3A_60, %dma_start3A_63] : memref<4096x4096xf32, #tpu.memory_space<hbm>> -> memref<4x4096xf32, #tpu.memory_space<hbm>>
      tpu.enqueue_dma source(%arg10 : memref<4x4096xf32, #tpu.memory_space<vmem>>) target(%dma_start3A_64 : memref<4x4096xf32, #tpu.memory_space<hbm>>) target_semaphore(%arg16 : memref<!tpu.dma_semaphore, #tpu.memory_space<semaphore_mem>>)
      %add3A_65 = arith.constant 4 : i32
      %add3A_66 = arith.addi %add3A_46, %add3A_65 : i32
      %lt3A = arith.constant 32 : i32
      %lt3A_67 = arith.cmpi slt, %add3A_66, %lt3A : i32
      %convert_element_type3A_68 = arith.extui %lt3A_67 : i1 to i32
      %cond3A_69 = arith.constant 0 : i32
      %cond3A_70 = arith.cmpi ne, %convert_element_type3A_68, %cond3A_69 : i32
      scf.if %cond3A_70 {
        %add3A_170 = arith.constant 4 : i32
        %add3A_171 = arith.addi %add3A_46, %add3A_170 : i32
        %mul3A_172 = arith.constant 4 : i32
        %mul3A_173 = arith.muli %add3A_171, %mul3A_172 : i32
        %add3A_174 = arith.addi %mul3A_2, %mul3A_173 : i32
        %dma_start3A_175 = arith.constant 0 : i32
        %dma_start3A_176 = tpu.memref_slice %arg2[%add3A_174, %dma_start3A_175] : memref<4096x4096xf32, #tpu.memory_space<hbm>> -> memref<4x4096xf32, #tpu.memory_space<hbm>>
        %dma_start3A_177 = arith.constant 0 : i32
        %dma_start3A_178 = tpu.memref_slice %arg2[%add3A_174, %dma_start3A_177] : memref<4096x4096xf32, #tpu.memory_space<hbm>> -> memref<4x4096xf32, #tpu.memory_space<hbm>>
        tpu.enqueue_dma source(%dma_start3A_178 : memref<4x4096xf32, #tpu.memory_space<hbm>>) target(%arg6 : memref<4x4096xf32, #tpu.memory_space<vmem>>) target_semaphore(%arg12 : memref<!tpu.dma_semaphore, #tpu.memory_space<semaphore_mem>>)
      } else {
      }
      %mul3A_71 = arith.constant 4 : i32
      %mul3A_72 = arith.muli %scan3A_42, %mul3A_71 : i32
      %add3A_73 = arith.constant 1 : i32
      %add3A_74 = arith.addi %mul3A_72, %add3A_73 : i32
      %mul3A_75 = arith.constant 4 : i32
      %mul3A_76 = arith.muli %add3A_74, %mul3A_75 : i32
      %add3A_77 = arith.addi %mul3A_2, %mul3A_76 : i32
      %dma_wait3A_78 = arith.constant 0 : i32
      %dma_wait3A_79 = tpu.memref_slice %arg2[%add3A_77, %dma_wait3A_78] : memref<4096x4096xf32, #tpu.memory_space<hbm>> -> memref<4x4096xf32, #tpu.memory_space<hbm>>
      %dma_wait3A_80 = arith.constant 0 : i32
      %dma_wait3A_81 = tpu.memref_slice %arg2[%add3A_77, %dma_wait3A_80] : memref<4096x4096xf32, #tpu.memory_space<hbm>> -> memref<4x4096xf32, #tpu.memory_space<hbm>>
      tpu.wait_dma2 semaphore(%arg13 : memref<!tpu.dma_semaphore, #tpu.memory_space<semaphore_mem>>) src(%dma_wait3A_81 : memref<4x4096xf32, #tpu.memory_space<hbm>>) dst(%arg7 : memref<4x4096xf32, #tpu.memory_space<vmem>>)
      %ge3A_82 = arith.constant 2 : i32
      %ge3A_83 = arith.cmpi sge, %add3A_74, %ge3A_82 : i32
      %convert_element_type3A_84 = arith.extui %ge3A_83 : i1 to i32
      %cond3A_85 = arith.constant 0 : i32
      %cond3A_86 = arith.cmpi ne, %convert_element_type3A_84, %cond3A_85 : i32
      scf.if %cond3A_86 {
        %sub3A = arith.constant 2 : i32
        %sub3A_170 = arith.subi %add3A_74, %sub3A : i32
        %mul3A_171 = arith.constant 4 : i32
        %mul3A_172 = arith.muli %sub3A_170, %mul3A_171 : i32
        %add3A_173 = arith.addi %mul3A_2, %mul3A_172 : i32
        %dma_wait3A_174 = arith.constant 0 : i32
        %dma_wait3A_175 = tpu.memref_slice %arg4[%add3A_173, %dma_wait3A_174] : memref<4096x4096xf32, #tpu.memory_space<hbm>> -> memref<4x4096xf32, #tpu.memory_space<hbm>>
        %dma_wait3A_176 = arith.constant 0 : i32
        %dma_wait3A_177 = tpu.memref_slice %arg4[%add3A_173, %dma_wait3A_176] : memref<4096x4096xf32, #tpu.memory_space<hbm>> -> memref<4x4096xf32, #tpu.memory_space<hbm>>
        tpu.wait_dma2 semaphore(%arg17 : memref<!tpu.dma_semaphore, #tpu.memory_space<semaphore_mem>>) src(%arg11 : memref<4x4096xf32, #tpu.memory_space<vmem>>) dst(%dma_wait3A_177 : memref<4x4096xf32, #tpu.memory_space<hbm>>)
      } else {
      }
      %parallel_loop3A_87 = arith.constant 0 : i32
      %parallel_loop3A_88 = arith.constant 256 : i32
      %parallel_loop3A_89 = arith.constant 1 : i32
      scf.for %parallel_loop3A_170 = %parallel_loop3A_87 to %parallel_loop3A_88 step %parallel_loop3A_89  : i32 {
        %parallel_loop3A_171 = arith.constant 16 : i32
        %parallel_loop3A_172 = arith.muli %parallel_loop3A_170, %parallel_loop3A_171 : i32
        %parallel_loop3A_173 = arith.index_cast %parallel_loop3A_172 : i32 to index
        %parallel_loop3A_174 = tpu.vector_load %arg5[%parallel_loop3A_173] {strides = array<i32>} : memref<4096xi32, #tpu.memory_space<vmem>>, vector<16xi32>,
        %parallel_loop3A_175 = arith.constant 0 : i32
        %parallel_loop3A_176 = vector.broadcast %parallel_loop3A_175 : i32 to vector<16xi32>
        %parallel_loop3A_177 = tpu.vector_load_idx %arg7[%parallel_loop3A_176, %parallel_loop3A_174] : memref<4x4096xf32, #tpu.memory_space<vmem>>[vector<16xi32>, vector<16xi32>], vector<16xf32>,
        %parallel_loop3A_178 = arith.constant 16 : i32
        %parallel_loop3A_179 = arith.muli %parallel_loop3A_170, %parallel_loop3A_178 : i32
        %parallel_loop3A_180 = arith.constant 0 : i32
        %parallel_loop3A_181 = arith.index_cast %parallel_loop3A_180 : i32 to index
        %parallel_loop3A_182 = arith.index_cast %parallel_loop3A_179 : i32 to index
        %parallel_loop3A_183 = tpu.vector_load %arg11[%parallel_loop3A_181, %parallel_loop3A_182] {strides = array<i32>} : memref<4x4096xf32, #tpu.memory_space<vmem>>, vector<16xf32>,
        tpu.vector_store %arg11[%parallel_loop3A_181, %parallel_loop3A_182], %parallel_loop3A_177 {strides = array<i32>} : memref<4x4096xf32, #tpu.memory_space<vmem>>, vector<16xf32>,
        %parallel_loop3A_184 = arith.constant 1 : i32
        %parallel_loop3A_185 = vector.broadcast %parallel_loop3A_184 : i32 to vector<16xi32>
        %parallel_loop3A_186 = tpu.vector_load_idx %arg7[%parallel_loop3A_185, %parallel_loop3A_174] : memref<4x4096xf32, #tpu.memory_space<vmem>>[vector<16xi32>, vector<16xi32>], vector<16xf32>,
        %parallel_loop3A_187 = arith.constant 16 : i32
        %parallel_loop3A_188 = arith.muli %parallel_loop3A_170, %parallel_loop3A_187 : i32
        %parallel_loop3A_189 = arith.constant 1 : i32
        %parallel_loop3A_190 = arith.index_cast %parallel_loop3A_189 : i32 to index
        %parallel_loop3A_191 = arith.index_cast %parallel_loop3A_188 : i32 to index
        %parallel_loop3A_192 = tpu.vector_load %arg11[%parallel_loop3A_190, %parallel_loop3A_191] {strides = array<i32>} : memref<4x4096xf32, #tpu.memory_space<vmem>>, vector<16xf32>,
        tpu.vector_store %arg11[%parallel_loop3A_190, %parallel_loop3A_191], %parallel_loop3A_186 {strides = array<i32>} : memref<4x4096xf32, #tpu.memory_space<vmem>>, vector<16xf32>,
        %parallel_loop3A_193 = arith.constant 2 : i32
        %parallel_loop3A_194 = vector.broadcast %parallel_loop3A_193 : i32 to vector<16xi32>
        %parallel_loop3A_195 = tpu.vector_load_idx %arg7[%parallel_loop3A_194, %parallel_loop3A_174] : memref<4x4096xf32, #tpu.memory_space<vmem>>[vector<16xi32>, vector<16xi32>], vector<16xf32>,
        %parallel_loop3A_196 = arith.constant 16 : i32
        %parallel_loop3A_197 = arith.muli %parallel_loop3A_170, %parallel_loop3A_196 : i32
        %parallel_loop3A_198 = arith.constant 2 : i32
        %parallel_loop3A_199 = arith.index_cast %parallel_loop3A_198 : i32 to index
        %parallel_loop3A_200 = arith.index_cast %parallel_loop3A_197 : i32 to index
        %parallel_loop3A_201 = tpu.vector_load %arg11[%parallel_loop3A_199, %parallel_loop3A_200] {strides = array<i32>} : memref<4x4096xf32, #tpu.memory_space<vmem>>, vector<16xf32>,
        tpu.vector_store %arg11[%parallel_loop3A_199, %parallel_loop3A_200], %parallel_loop3A_195 {strides = array<i32>} : memref<4x4096xf32, #tpu.memory_space<vmem>>, vector<16xf32>,
        %parallel_loop3A_202 = arith.constant 3 : i32
        %parallel_loop3A_203 = vector.broadcast %parallel_loop3A_202 : i32 to vector<16xi32>
        %parallel_loop3A_204 = tpu.vector_load_idx %arg7[%parallel_loop3A_203, %parallel_loop3A_174] : memref<4x4096xf32, #tpu.memory_space<vmem>>[vector<16xi32>, vector<16xi32>], vector<16xf32>,
        %parallel_loop3A_205 = arith.constant 16 : i32
        %parallel_loop3A_206 = arith.muli %parallel_loop3A_170, %parallel_loop3A_205 : i32
        %parallel_loop3A_207 = arith.constant 3 : i32
        %parallel_loop3A_208 = arith.index_cast %parallel_loop3A_207 : i32 to index
        %parallel_loop3A_209 = arith.index_cast %parallel_loop3A_206 : i32 to index
        %parallel_loop3A_210 = tpu.vector_load %arg11[%parallel_loop3A_208, %parallel_loop3A_209] {strides = array<i32>} : memref<4x4096xf32, #tpu.memory_space<vmem>>, vector<16xf32>,
        tpu.vector_store %arg11[%parallel_loop3A_208, %parallel_loop3A_209], %parallel_loop3A_204 {strides = array<i32>} : memref<4x4096xf32, #tpu.memory_space<vmem>>, vector<16xf32>,
      } {sc.loop_unroll_factor = 8 : i64, sc.parallel_access}
      %mul3A_90 = arith.constant 4 : i32
      %mul3A_91 = arith.muli %add3A_74, %mul3A_90 : i32
      %add3A_92 = arith.addi %mul3A_2, %mul3A_91 : i32
      %dma_start3A_93 = arith.constant 0 : i32
      %dma_start3A_94 = tpu.memref_slice %arg4[%add3A_92, %dma_start3A_93] : memref<4096x4096xf32, #tpu.memory_space<hbm>> -> memref<4x4096xf32, #tpu.memory_space<hbm>>
      %dma_start3A_95 = arith.constant 0 : i32
      %dma_start3A_96 = tpu.memref_slice %arg4[%add3A_92, %dma_start3A_95] : memref<4096x4096xf32, #tpu.memory_space<hbm>> -> memref<4x4096xf32, #tpu.memory_space<hbm>>
      tpu.enqueue_dma source(%arg11 : memref<4x4096xf32, #tpu.memory_space<vmem>>) target(%dma_start3A_96 : memref<4x4096xf32, #tpu.memory_space<hbm>>) target_semaphore(%arg17 : memref<!tpu.dma_semaphore, #tpu.memory_space<semaphore_mem>>)
      %add3A_97 = arith.constant 4 : i32
      %add3A_98 = arith.addi %add3A_74, %add3A_97 : i32
      %lt3A_99 = arith.constant 32 : i32
      %lt3A_100 = arith.cmpi slt, %add3A_98, %lt3A_99 : i32
      %convert_element_type3A_101 = arith.extui %lt3A_100 : i1 to i32
      %cond3A_102 = arith.constant 0 : i32
      %cond3A_103 = arith.cmpi ne, %convert_element_type3A_101, %cond3A_102 : i32
      scf.if %cond3A_103 {
        %add3A_170 = arith.constant 4 : i32
        %add3A_171 = arith.addi %add3A_74, %add3A_170 : i32
        %mul3A_172 = arith.constant 4 : i32
        %mul3A_173 = arith.muli %add3A_171, %mul3A_172 : i32
        %add3A_174 = arith.addi %mul3A_2, %mul3A_173 : i32
        %dma_start3A_175 = arith.constant 0 : i32
        %dma_start3A_176 = tpu.memref_slice %arg2[%add3A_174, %dma_start3A_175] : memref<4096x4096xf32, #tpu.memory_space<hbm>> -> memref<4x4096xf32, #tpu.memory_space<hbm>>
        %dma_start3A_177 = arith.constant 0 : i32
        %dma_start3A_178 = tpu.memref_slice %arg2[%add3A_174, %dma_start3A_177] : memref<4096x4096xf32, #tpu.memory_space<hbm>> -> memref<4x4096xf32, #tpu.memory_space<hbm>>
        tpu.enqueue_dma source(%dma_start3A_178 : memref<4x4096xf32, #tpu.memory_space<hbm>>) target(%arg7 : memref<4x4096xf32, #tpu.memory_space<vmem>>) target_semaphore(%arg13 : memref<!tpu.dma_semaphore, #tpu.memory_space<semaphore_mem>>)
      } else {
      }
      %mul3A_104 = arith.constant 4 : i32
      %mul3A_105 = arith.muli %scan3A_42, %mul3A_104 : i32
      %add3A_106 = arith.constant 2 : i32
      %add3A_107 = arith.addi %mul3A_105, %add3A_106 : i32
      %mul3A_108 = arith.constant 4 : i32
      %mul3A_109 = arith.muli %add3A_107, %mul3A_108 : i32
      %add3A_110 = arith.addi %mul3A_2, %mul3A_109 : i32
      %dma_wait3A_111 = arith.constant 0 : i32
      %dma_wait3A_112 = tpu.memref_slice %arg2[%add3A_110, %dma_wait3A_111] : memref<4096x4096xf32, #tpu.memory_space<hbm>> -> memref<4x4096xf32, #tpu.memory_space<hbm>>
      %dma_wait3A_113 = arith.constant 0 : i32
      %dma_wait3A_114 = tpu.memref_slice %arg2[%add3A_110, %dma_wait3A_113] : memref<4096x4096xf32, #tpu.memory_space<hbm>> -> memref<4x4096xf32, #tpu.memory_space<hbm>>
      tpu.wait_dma2 semaphore(%arg14 : memref<!tpu.dma_semaphore, #tpu.memory_space<semaphore_mem>>) src(%dma_wait3A_114 : memref<4x4096xf32, #tpu.memory_space<hbm>>) dst(%arg8 : memref<4x4096xf32, #tpu.memory_space<vmem>>)
      %ge3A_115 = arith.constant 2 : i32
      %ge3A_116 = arith.cmpi sge, %add3A_107, %ge3A_115 : i32
      %convert_element_type3A_117 = arith.extui %ge3A_116 : i1 to i32
      %cond3A_118 = arith.constant 0 : i32
      %cond3A_119 = arith.cmpi ne, %convert_element_type3A_117, %cond3A_118 : i32
      scf.if %cond3A_119 {
        %sub3A = arith.constant 2 : i32
        %sub3A_170 = arith.subi %add3A_107, %sub3A : i32
        %mul3A_171 = arith.constant 4 : i32
        %mul3A_172 = arith.muli %sub3A_170, %mul3A_171 : i32
        %add3A_173 = arith.addi %mul3A_2, %mul3A_172 : i32
        %dma_wait3A_174 = arith.constant 0 : i32
        %dma_wait3A_175 = tpu.memref_slice %arg4[%add3A_173, %dma_wait3A_174] : memref<4096x4096xf32, #tpu.memory_space<hbm>> -> memref<4x4096xf32, #tpu.memory_space<hbm>>
        %dma_wait3A_176 = arith.constant 0 : i32
        %dma_wait3A_177 = tpu.memref_slice %arg4[%add3A_173, %dma_wait3A_176] : memref<4096x4096xf32, #tpu.memory_space<hbm>> -> memref<4x4096xf32, #tpu.memory_space<hbm>>
        tpu.wait_dma2 semaphore(%arg16 : memref<!tpu.dma_semaphore, #tpu.memory_space<semaphore_mem>>) src(%arg10 : memref<4x4096xf32, #tpu.memory_space<vmem>>) dst(%dma_wait3A_177 : memref<4x4096xf32, #tpu.memory_space<hbm>>)
      } else {
      }
      %parallel_loop3A_120 = arith.constant 0 : i32
      %parallel_loop3A_121 = arith.constant 256 : i32
      %parallel_loop3A_122 = arith.constant 1 : i32
      scf.for %parallel_loop3A_170 = %parallel_loop3A_120 to %parallel_loop3A_121 step %parallel_loop3A_122  : i32 {
        %parallel_loop3A_171 = arith.constant 16 : i32
        %parallel_loop3A_172 = arith.muli %parallel_loop3A_170, %parallel_loop3A_171 : i32
        %parallel_loop3A_173 = arith.index_cast %parallel_loop3A_172 : i32 to index
        %parallel_loop3A_174 = tpu.vector_load %arg5[%parallel_loop3A_173] {strides = array<i32>} : memref<4096xi32, #tpu.memory_space<vmem>>, vector<16xi32>,
        %parallel_loop3A_175 = arith.constant 0 : i32
        %parallel_loop3A_176 = vector.broadcast %parallel_loop3A_175 : i32 to vector<16xi32>
        %parallel_loop3A_177 = tpu.vector_load_idx %arg8[%parallel_loop3A_176, %parallel_loop3A_174] : memref<4x4096xf32, #tpu.memory_space<vmem>>[vector<16xi32>, vector<16xi32>], vector<16xf32>,
        %parallel_loop3A_178 = arith.constant 16 : i32
        %parallel_loop3A_179 = arith.muli %parallel_loop3A_170, %parallel_loop3A_178 : i32
        %parallel_loop3A_180 = arith.constant 0 : i32
        %parallel_loop3A_181 = arith.index_cast %parallel_loop3A_180 : i32 to index
        %parallel_loop3A_182 = arith.index_cast %parallel_loop3A_179 : i32 to index
        %parallel_loop3A_183 = tpu.vector_load %arg10[%parallel_loop3A_181, %parallel_loop3A_182] {strides = array<i32>} : memref<4x4096xf32, #tpu.memory_space<vmem>>, vector<16xf32>,
        tpu.vector_store %arg10[%parallel_loop3A_181, %parallel_loop3A_182], %parallel_loop3A_177 {strides = array<i32>} : memref<4x4096xf32, #tpu.memory_space<vmem>>, vector<16xf32>,
        %parallel_loop3A_184 = arith.constant 1 : i32
        %parallel_loop3A_185 = vector.broadcast %parallel_loop3A_184 : i32 to vector<16xi32>
        %parallel_loop3A_186 = tpu.vector_load_idx %arg8[%parallel_loop3A_185, %parallel_loop3A_174] : memref<4x4096xf32, #tpu.memory_space<vmem>>[vector<16xi32>, vector<16xi32>], vector<16xf32>,
        %parallel_loop3A_187 = arith.constant 16 : i32
        %parallel_loop3A_188 = arith.muli %parallel_loop3A_170, %parallel_loop3A_187 : i32
        %parallel_loop3A_189 = arith.constant 1 : i32
        %parallel_loop3A_190 = arith.index_cast %parallel_loop3A_189 : i32 to index
        %parallel_loop3A_191 = arith.index_cast %parallel_loop3A_188 : i32 to index
        %parallel_loop3A_192 = tpu.vector_load %arg10[%parallel_loop3A_190, %parallel_loop3A_191] {strides = array<i32>} : memref<4x4096xf32, #tpu.memory_space<vmem>>, vector<16xf32>,
        tpu.vector_store %arg10[%parallel_loop3A_190, %parallel_loop3A_191], %parallel_loop3A_186 {strides = array<i32>} : memref<4x4096xf32, #tpu.memory_space<vmem>>, vector<16xf32>,
        %parallel_loop3A_193 = arith.constant 2 : i32
        %parallel_loop3A_194 = vector.broadcast %parallel_loop3A_193 : i32 to vector<16xi32>
        %parallel_loop3A_195 = tpu.vector_load_idx %arg8[%parallel_loop3A_194, %parallel_loop3A_174] : memref<4x4096xf32, #tpu.memory_space<vmem>>[vector<16xi32>, vector<16xi32>], vector<16xf32>,
        %parallel_loop3A_196 = arith.constant 16 : i32
        %parallel_loop3A_197 = arith.muli %parallel_loop3A_170, %parallel_loop3A_196 : i32
        %parallel_loop3A_198 = arith.constant 2 : i32
        %parallel_loop3A_199 = arith.index_cast %parallel_loop3A_198 : i32 to index
        %parallel_loop3A_200 = arith.index_cast %parallel_loop3A_197 : i32 to index
        %parallel_loop3A_201 = tpu.vector_load %arg10[%parallel_loop3A_199, %parallel_loop3A_200] {strides = array<i32>} : memref<4x4096xf32, #tpu.memory_space<vmem>>, vector<16xf32>,
        tpu.vector_store %arg10[%parallel_loop3A_199, %parallel_loop3A_200], %parallel_loop3A_195 {strides = array<i32>} : memref<4x4096xf32, #tpu.memory_space<vmem>>, vector<16xf32>,
        %parallel_loop3A_202 = arith.constant 3 : i32
        %parallel_loop3A_203 = vector.broadcast %parallel_loop3A_202 : i32 to vector<16xi32>
        %parallel_loop3A_204 = tpu.vector_load_idx %arg8[%parallel_loop3A_203, %parallel_loop3A_174] : memref<4x4096xf32, #tpu.memory_space<vmem>>[vector<16xi32>, vector<16xi32>], vector<16xf32>,
        %parallel_loop3A_205 = arith.constant 16 : i32
        %parallel_loop3A_206 = arith.muli %parallel_loop3A_170, %parallel_loop3A_205 : i32
        %parallel_loop3A_207 = arith.constant 3 : i32
        %parallel_loop3A_208 = arith.index_cast %parallel_loop3A_207 : i32 to index
        %parallel_loop3A_209 = arith.index_cast %parallel_loop3A_206 : i32 to index
        %parallel_loop3A_210 = tpu.vector_load %arg10[%parallel_loop3A_208, %parallel_loop3A_209] {strides = array<i32>} : memref<4x4096xf32, #tpu.memory_space<vmem>>, vector<16xf32>,
        tpu.vector_store %arg10[%parallel_loop3A_208, %parallel_loop3A_209], %parallel_loop3A_204 {strides = array<i32>} : memref<4x4096xf32, #tpu.memory_space<vmem>>, vector<16xf32>,
      } {sc.loop_unroll_factor = 8 : i64, sc.parallel_access}
      %mul3A_123 = arith.constant 4 : i32
      %mul3A_124 = arith.muli %add3A_107, %mul3A_123 : i32
      %add3A_125 = arith.addi %mul3A_2, %mul3A_124 : i32
      %dma_start3A_126 = arith.constant 0 : i32
      %dma_start3A_127 = tpu.memref_slice %arg4[%add3A_125, %dma_start3A_126] : memref<4096x4096xf32, #tpu.memory_space<hbm>> -> memref<4x4096xf32, #tpu.memory_space<hbm>>
      %dma_start3A_128 = arith.constant 0 : i32
      %dma_start3A_129 = tpu.memref_slice %arg4[%add3A_125, %dma_start3A_128] : memref<4096x4096xf32, #tpu.memory_space<hbm>> -> memref<4x4096xf32, #tpu.memory_space<hbm>>
      tpu.enqueue_dma source(%arg10 : memref<4x4096xf32, #tpu.memory_space<vmem>>) target(%dma_start3A_129 : memref<4x4096xf32, #tpu.memory_space<hbm>>) target_semaphore(%arg16 : memref<!tpu.dma_semaphore, #tpu.memory_space<semaphore_mem>>)
      %add3A_130 = arith.constant 4 : i32
      %add3A_131 = arith.addi %add3A_107, %add3A_130 : i32
      %lt3A_132 = arith.constant 32 : i32
      %lt3A_133 = arith.cmpi slt, %add3A_131, %lt3A_132 : i32
      %convert_element_type3A_134 = arith.extui %lt3A_133 : i1 to i32
      %cond3A_135 = arith.constant 0 : i32
      %cond3A_136 = arith.cmpi ne, %convert_element_type3A_134, %cond3A_135 : i32
      scf.if %cond3A_136 {
        %add3A_170 = arith.constant 4 : i32
        %add3A_171 = arith.addi %add3A_107, %add3A_170 : i32
        %mul3A_172 = arith.constant 4 : i32
        %mul3A_173 = arith.muli %add3A_171, %mul3A_172 : i32
        %add3A_174 = arith.addi %mul3A_2, %mul3A_173 : i32
        %dma_start3A_175 = arith.constant 0 : i32
        %dma_start3A_176 = tpu.memref_slice %arg2[%add3A_174, %dma_start3A_175] : memref<4096x4096xf32, #tpu.memory_space<hbm>> -> memref<4x4096xf32, #tpu.memory_space<hbm>>
        %dma_start3A_177 = arith.constant 0 : i32
        %dma_start3A_178 = tpu.memref_slice %arg2[%add3A_174, %dma_start3A_177] : memref<4096x4096xf32, #tpu.memory_space<hbm>> -> memref<4x4096xf32, #tpu.memory_space<hbm>>
        tpu.enqueue_dma source(%dma_start3A_178 : memref<4x4096xf32, #tpu.memory_space<hbm>>) target(%arg8 : memref<4x4096xf32, #tpu.memory_space<vmem>>) target_semaphore(%arg14 : memref<!tpu.dma_semaphore, #tpu.memory_space<semaphore_mem>>)
      } else {
      }
      %mul3A_137 = arith.constant 4 : i32
      %mul3A_138 = arith.muli %scan3A_42, %mul3A_137 : i32
      %add3A_139 = arith.constant 3 : i32
      %add3A_140 = arith.addi %mul3A_138, %add3A_139 : i32
      %mul3A_141 = arith.constant 4 : i32
      %mul3A_142 = arith.muli %add3A_140, %mul3A_141 : i32
      %add3A_143 = arith.addi %mul3A_2, %mul3A_142 : i32
      %dma_wait3A_144 = arith.constant 0 : i32
      %dma_wait3A_145 = tpu.memref_slice %arg2[%add3A_143, %dma_wait3A_144] : memref<4096x4096xf32, #tpu.memory_space<hbm>> -> memref<4x4096xf32, #tpu.memory_space<hbm>>
      %dma_wait3A_146 = arith.constant 0 : i32
      %dma_wait3A_147 = tpu.memref_slice %arg2[%add3A_143, %dma_wait3A_146] : memref<4096x4096xf32, #tpu.memory_space<hbm>> -> memref<4x4096xf32, #tpu.memory_space<hbm>>
      tpu.wait_dma2 semaphore(%arg15 : memref<!tpu.dma_semaphore, #tpu.memory_space<semaphore_mem>>) src(%dma_wait3A_147 : memref<4x4096xf32, #tpu.memory_space<hbm>>) dst(%arg9 : memref<4x4096xf32, #tpu.memory_space<vmem>>)
      %ge3A_148 = arith.constant 2 : i32
      %ge3A_149 = arith.cmpi sge, %add3A_140, %ge3A_148 : i32
      %convert_element_type3A_150 = arith.extui %ge3A_149 : i1 to i32
      %cond3A_151 = arith.constant 0 : i32
      %cond3A_152 = arith.cmpi ne, %convert_element_type3A_150, %cond3A_151 : i32
      scf.if %cond3A_152 {
        %sub3A = arith.constant 2 : i32
        %sub3A_170 = arith.subi %add3A_140, %sub3A : i32
        %mul3A_171 = arith.constant 4 : i32
        %mul3A_172 = arith.muli %sub3A_170, %mul3A_171 : i32
        %add3A_173 = arith.addi %mul3A_2, %mul3A_172 : i32
        %dma_wait3A_174 = arith.constant 0 : i32
        %dma_wait3A_175 = tpu.memref_slice %arg4[%add3A_173, %dma_wait3A_174] : memref<4096x4096xf32, #tpu.memory_space<hbm>> -> memref<4x4096xf32, #tpu.memory_space<hbm>>
        %dma_wait3A_176 = arith.constant 0 : i32
        %dma_wait3A_177 = tpu.memref_slice %arg4[%add3A_173, %dma_wait3A_176] : memref<4096x4096xf32, #tpu.memory_space<hbm>> -> memref<4x4096xf32, #tpu.memory_space<hbm>>
        tpu.wait_dma2 semaphore(%arg17 : memref<!tpu.dma_semaphore, #tpu.memory_space<semaphore_mem>>) src(%arg11 : memref<4x4096xf32, #tpu.memory_space<vmem>>) dst(%dma_wait3A_177 : memref<4x4096xf32, #tpu.memory_space<hbm>>)
      } else {
      }
      %parallel_loop3A_153 = arith.constant 0 : i32
      %parallel_loop3A_154 = arith.constant 256 : i32
      %parallel_loop3A_155 = arith.constant 1 : i32
      scf.for %parallel_loop3A_170 = %parallel_loop3A_153 to %parallel_loop3A_154 step %parallel_loop3A_155  : i32 {
        %parallel_loop3A_171 = arith.constant 16 : i32
        %parallel_loop3A_172 = arith.muli %parallel_loop3A_170, %parallel_loop3A_171 : i32
        %parallel_loop3A_173 = arith.index_cast %parallel_loop3A_172 : i32 to index
        %parallel_loop3A_174 = tpu.vector_load %arg5[%parallel_loop3A_173] {strides = array<i32>} : memref<4096xi32, #tpu.memory_space<vmem>>, vector<16xi32>,
        %parallel_loop3A_175 = arith.constant 0 : i32
        %parallel_loop3A_176 = vector.broadcast %parallel_loop3A_175 : i32 to vector<16xi32>
        %parallel_loop3A_177 = tpu.vector_load_idx %arg9[%parallel_loop3A_176, %parallel_loop3A_174] : memref<4x4096xf32, #tpu.memory_space<vmem>>[vector<16xi32>, vector<16xi32>], vector<16xf32>,
        %parallel_loop3A_178 = arith.constant 16 : i32
        %parallel_loop3A_179 = arith.muli %parallel_loop3A_170, %parallel_loop3A_178 : i32
        %parallel_loop3A_180 = arith.constant 0 : i32
        %parallel_loop3A_181 = arith.index_cast %parallel_loop3A_180 : i32 to index
        %parallel_loop3A_182 = arith.index_cast %parallel_loop3A_179 : i32 to index
        %parallel_loop3A_183 = tpu.vector_load %arg11[%parallel_loop3A_181, %parallel_loop3A_182] {strides = array<i32>} : memref<4x4096xf32, #tpu.memory_space<vmem>>, vector<16xf32>,
        tpu.vector_store %arg11[%parallel_loop3A_181, %parallel_loop3A_182], %parallel_loop3A_177 {strides = array<i32>} : memref<4x4096xf32, #tpu.memory_space<vmem>>, vector<16xf32>,
        %parallel_loop3A_184 = arith.constant 1 : i32
        %parallel_loop3A_185 = vector.broadcast %parallel_loop3A_184 : i32 to vector<16xi32>
        %parallel_loop3A_186 = tpu.vector_load_idx %arg9[%parallel_loop3A_185, %parallel_loop3A_174] : memref<4x4096xf32, #tpu.memory_space<vmem>>[vector<16xi32>, vector<16xi32>], vector<16xf32>,
        %parallel_loop3A_187 = arith.constant 16 : i32
        %parallel_loop3A_188 = arith.muli %parallel_loop3A_170, %parallel_loop3A_187 : i32
        %parallel_loop3A_189 = arith.constant 1 : i32
        %parallel_loop3A_190 = arith.index_cast %parallel_loop3A_189 : i32 to index
        %parallel_loop3A_191 = arith.index_cast %parallel_loop3A_188 : i32 to index
        %parallel_loop3A_192 = tpu.vector_load %arg11[%parallel_loop3A_190, %parallel_loop3A_191] {strides = array<i32>} : memref<4x4096xf32, #tpu.memory_space<vmem>>, vector<16xf32>,
        tpu.vector_store %arg11[%parallel_loop3A_190, %parallel_loop3A_191], %parallel_loop3A_186 {strides = array<i32>} : memref<4x4096xf32, #tpu.memory_space<vmem>>, vector<16xf32>,
        %parallel_loop3A_193 = arith.constant 2 : i32
        %parallel_loop3A_194 = vector.broadcast %parallel_loop3A_193 : i32 to vector<16xi32>
        %parallel_loop3A_195 = tpu.vector_load_idx %arg9[%parallel_loop3A_194, %parallel_loop3A_174] : memref<4x4096xf32, #tpu.memory_space<vmem>>[vector<16xi32>, vector<16xi32>], vector<16xf32>,
        %parallel_loop3A_196 = arith.constant 16 : i32
        %parallel_loop3A_197 = arith.muli %parallel_loop3A_170, %parallel_loop3A_196 : i32
        %parallel_loop3A_198 = arith.constant 2 : i32
        %parallel_loop3A_199 = arith.index_cast %parallel_loop3A_198 : i32 to index
        %parallel_loop3A_200 = arith.index_cast %parallel_loop3A_197 : i32 to index
        %parallel_loop3A_201 = tpu.vector_load %arg11[%parallel_loop3A_199, %parallel_loop3A_200] {strides = array<i32>} : memref<4x4096xf32, #tpu.memory_space<vmem>>, vector<16xf32>,
        tpu.vector_store %arg11[%parallel_loop3A_199, %parallel_loop3A_200], %parallel_loop3A_195 {strides = array<i32>} : memref<4x4096xf32, #tpu.memory_space<vmem>>, vector<16xf32>,
        %parallel_loop3A_202 = arith.constant 3 : i32
        %parallel_loop3A_203 = vector.broadcast %parallel_loop3A_202 : i32 to vector<16xi32>
        %parallel_loop3A_204 = tpu.vector_load_idx %arg9[%parallel_loop3A_203, %parallel_loop3A_174] : memref<4x4096xf32, #tpu.memory_space<vmem>>[vector<16xi32>, vector<16xi32>], vector<16xf32>,
        %parallel_loop3A_205 = arith.constant 16 : i32
        %parallel_loop3A_206 = arith.muli %parallel_loop3A_170, %parallel_loop3A_205 : i32
        %parallel_loop3A_207 = arith.constant 3 : i32
        %parallel_loop3A_208 = arith.index_cast %parallel_loop3A_207 : i32 to index
        %parallel_loop3A_209 = arith.index_cast %parallel_loop3A_206 : i32 to index
        %parallel_loop3A_210 = tpu.vector_load %arg11[%parallel_loop3A_208, %parallel_loop3A_209] {strides = array<i32>} : memref<4x4096xf32, #tpu.memory_space<vmem>>, vector<16xf32>,
        tpu.vector_store %arg11[%parallel_loop3A_208, %parallel_loop3A_209], %parallel_loop3A_204 {strides = array<i32>} : memref<4x4096xf32, #tpu.memory_space<vmem>>, vector<16xf32>,
      } {sc.loop_unroll_factor = 8 : i64, sc.parallel_access}
      %mul3A_156 = arith.constant 4 : i32
      %mul3A_157 = arith.muli %add3A_140, %mul3A_156 : i32
      %add3A_158 = arith.addi %mul3A_2, %mul3A_157 : i32
      %dma_start3A_159 = arith.constant 0 : i32
      %dma_start3A_160 = tpu.memref_slice %arg4[%add3A_158, %dma_start3A_159] : memref<4096x4096xf32, #tpu.memory_space<hbm>> -> memref<4x4096xf32, #tpu.memory_space<hbm>>
      %dma_start3A_161 = arith.constant 0 : i32
      %dma_start3A_162 = tpu.memref_slice %arg4[%add3A_158, %dma_start3A_161] : memref<4096x4096xf32, #tpu.memory_space<hbm>> -> memref<4x4096xf32, #tpu.memory_space<hbm>>
      tpu.enqueue_dma source(%arg11 : memref<4x4096xf32, #tpu.memory_space<vmem>>) target(%dma_start3A_162 : memref<4x4096xf32, #tpu.memory_space<hbm>>) target_semaphore(%arg17 : memref<!tpu.dma_semaphore, #tpu.memory_space<semaphore_mem>>)
      %add3A_163 = arith.constant 4 : i32
      %add3A_164 = arith.addi %add3A_140, %add3A_163 : i32
      %lt3A_165 = arith.constant 32 : i32
      %lt3A_166 = arith.cmpi slt, %add3A_164, %lt3A_165 : i32
      %convert_element_type3A_167 = arith.extui %lt3A_166 : i1 to i32
      %cond3A_168 = arith.constant 0 : i32
      %cond3A_169 = arith.cmpi ne, %convert_element_type3A_167, %cond3A_168 : i32
      scf.if %cond3A_169 {
        %add3A_170 = arith.constant 4 : i32
        %add3A_171 = arith.addi %add3A_140, %add3A_170 : i32
        %mul3A_172 = arith.constant 4 : i32
        %mul3A_173 = arith.muli %add3A_171, %mul3A_172 : i32
        %add3A_174 = arith.addi %mul3A_2, %mul3A_173 : i32
        %dma_start3A_175 = arith.constant 0 : i32
        %dma_start3A_176 = tpu.memref_slice %arg2[%add3A_174, %dma_start3A_175] : memref<4096x4096xf32, #tpu.memory_space<hbm>> -> memref<4x4096xf32, #tpu.memory_space<hbm>>
        %dma_start3A_177 = arith.constant 0 : i32
        %dma_start3A_178 = tpu.memref_slice %arg2[%add3A_174, %dma_start3A_177] : memref<4096x4096xf32, #tpu.memory_space<hbm>> -> memref<4x4096xf32, #tpu.memory_space<hbm>>
        tpu.enqueue_dma source(%dma_start3A_178 : memref<4x4096xf32, #tpu.memory_space<hbm>>) target(%arg9 : memref<4x4096xf32, #tpu.memory_space<vmem>>) target_semaphore(%arg15 : memref<!tpu.dma_semaphore, #tpu.memory_space<semaphore_mem>>)
      } else {
      }
    }
    %scan3A_30 = arith.constant 8 : i32
    %add3A_31 = arith.constant 120 : i32
    %add3A_32 = arith.addi %mul3A_2, %add3A_31 : i32
    %dma_wait3A = arith.constant 0 : i32
    %dma_wait3A_33 = tpu.memref_slice %arg4[%add3A_32, %dma_wait3A] : memref<4096x4096xf32, #tpu.memory_space<hbm>> -> memref<4x4096xf32, #tpu.memory_space<hbm>>
    %dma_wait3A_34 = arith.constant 0 : i32
    %dma_wait3A_35 = tpu.memref_slice %arg4[%add3A_32, %dma_wait3A_34] : memref<4096x4096xf32, #tpu.memory_space<hbm>> -> memref<4x4096xf32, #tpu.memory_space<hbm>>
    tpu.wait_dma2 semaphore(%arg16 : memref<!tpu.dma_semaphore, #tpu.memory_space<semaphore_mem>>) src(%arg10 : memref<4x4096xf32, #tpu.memory_space<vmem>>) dst(%dma_wait3A_35 : memref<4x4096xf32, #tpu.memory_space<hbm>>)
    %add3A_36 = arith.constant 124 : i32
    %add3A_37 = arith.addi %mul3A_2, %add3A_36 : i32
    %dma_wait3A_38 = arith.constant 0 : i32
    %dma_wait3A_39 = tpu.memref_slice %arg4[%add3A_37, %dma_wait3A_38] : memref<4096x4096xf32, #tpu.memory_space<hbm>> -> memref<4x4096xf32, #tpu.memory_space<hbm>>
    %dma_wait3A_40 = arith.constant 0 : i32
    %dma_wait3A_41 = tpu.memref_slice %arg4[%add3A_37, %dma_wait3A_40] : memref<4096x4096xf32, #tpu.memory_space<hbm>> -> memref<4x4096xf32, #tpu.memory_space<hbm>>
    tpu.wait_dma2 semaphore(%arg17 : memref<!tpu.dma_semaphore, #tpu.memory_space<semaphore_mem>>) src(%arg11 : memref<4x4096xf32, #tpu.memory_space<vmem>>) dst(%dma_wait3A_41 : memref<4x4096xf32, #tpu.memory_space<hbm>>)
    return
  }
}

</mosaic_0001>

<sc_bundles>
// kernel: _shuffle.3.cloned.1.call-start
scs
__scs_entry_jumppad:
0x0: {  	(pc) =	sbr.rel $0x88, $3  }
0x1: {  	(tag) =	ssettag $0x0;
	lr =	simm.s32 $0x1  }
0x2: {  	[smem:$0x3F9F] =	sst lr;
	_ =	strace $0xD0000000  }
0x3: {  	_ = 	snop  }
0x4: {  	_ = 	snop  }
0x5: {  	_ = 	snop  }
0x6: {  	_ = 	snop  }
0x7: {  	_ = 	snop  }
__scs_overlays_trampoline_lowered:
0x8: {  	[smem:$0x3FAE] =	sst s0  }
0x9: {  	[smem:$0x3FAF] =	sst s1  }
0xa: {  	[smem:$0x3FB0] =	sst s2  }
0xb: {  	[smem:$0x3FB1] =	sst s3  }
0xc: {  	[smem:$0x3FB2] =	sst s4  }
0xd: {  	[smem:$0x3FB3] =	sst s5  }
0xe: {  	[smem:$0x3FB4] =	sst s6  }
0xf: {  	[smem:$0x3FB5] =	sst s7  }
0x10: {  	[smem:$0x3FB6] =	sst s8  }
0x11: {  	[smem:$0x3FB7] =	sst s9;
	s0 =	simm.s32 @!p0 $0x0  }
0x12: {  	s1 =	sld [smem:$0x3F9D];
	s0 =	simm.s32 @p0 $0x1  }
0x13: {  	[smem:$0x3FB8] =	sst s0;
	s0 =	simm.s32 @!p1 $0x0  }
0x14: {  	s2 =	sld [smem:$0x3F9C];
	s0 =	simm.s32 @p1 $0x1  }
0x15: {  	[smem:$0x3FB9] =	sst s0;
	s0 =	simm.s32 @!p2 $0x0  }
0x16: {  	s3 =	sld [smem:$0x3FDB];
	s0 =	simm.s32 @p2 $0x1  }
0x17: {  	s4 =	simm.s32 $0x1BF5;
	[smem:$0x3FBB] =	sst s0  }
0x18: {  	s0 =	sld [smem:$0x3F9E];
	_ =	swait.ge [sflag:s4], $0x0  }
0x19: {  	s7 =	sld [smem:$0x3F9F]  }
0x1a: {  	s8 =	sadd.s32 $0xFFFFE003, lr  }
0x1b: {  	s9 =	sadd.s32 $0xFFFFFEF7, lr;
	s5 =	simm.s32 $0xFFFFFFFF;
	p2 =	slt.u32 s8, $0xFFFFF086  }
0x1c: {  	p1 =	slt.u32 s9, $0xF7A;
	s5 =	simm.s32 @!p2 $0x0  }
0x1d: {  	s5 =	simm.s32 @p1 $0x1;
	p0 =	seq.s32 s7, s2  }
0x1e: {  	s7 =	smul.u32 @!p0 $0xF7A, s2;
	p2 =	seq.s32 @!p0 s5, $0x0  }
0x1f: {  	s9 =	smul.u32 $0xF7A, s1;
	s8 =	simm.s32 @!p0 $0x1BF5;
	p2 =	por !p2, p0  }
0x20: {  	[sflag:s8] =	ssyncset.s32 @!p0 $0xFFFFF086;
	s6 =	sadd.s32 @!p0 s3, s7;
	s7 =	simm.s32 @!p0 $0x108  }
0x21: {  	s3 =	sadd.s32 s3, s9;
	s6 =	sadd.s32 @!p0 $0x88, s6;
	s7 =	simm.s32 @p2 $0x1082  }
0x22: {  	[simem:s7], [sflag:s8] =	dma.local @!p0 [hbm:s6], $0xF7A  }
0x23: {  	s9 =	sor.u32 $0xD0000000, s2;
	s6 =	simm.s32 $0x108;
	_ =	swait.ge @!p0 [sflag:s8], $0x0  }
0x24: {  	s3 =	sadd.s32 $0x88, s3;
	s6 =	simm.s32 @!p1 $0x1082;
	[sflag:s4] =	ssyncset.s32 $0xFFFFF086  }
0x25: {  	[simem:s6], [sflag:s4] =	dma.local [hbm:s3], $0xF7A  }
0x26: {  	[smem:$0x3F9F] =	sst s1;
	(tag) =	ssettag s2;
	_ =	strace s9  }
0x27: {  	s1 =	sld [smem:$0x3FAF]  }
0x28: {  	s2 =	sld [smem:$0x3FB0]  }
0x29: {  	s4 =	sld [smem:$0x3FB2]  }
0x2a: {  	p0 =	seq.s32 s5, $0x0;
	s5 =	sld [smem:$0x3FB3]  }
0x2b: {  	s6 =	sld [smem:$0x3FB4]  }
0x2c: {  	s7 =	sld [smem:$0x3FB5]  }
0x2d: {  	s3 =	simm.s32 $0x108;
	s8 =	sld [smem:$0x3FB6]  }
0x2e: {  	s3 =	simm.s32 @!p0 $0x1082;
	s9 =	sld [smem:$0x3FB7]  }
0x2f: {  	lr =	sadd.s32 s0, s3;
	s0 =	sld [smem:$0x3FAE]  }
0x30: {  	s3 =	sld [smem:$0x3FB1]  }
0x31: {  	[smem:$0x3FBA] =	sst s10  }
0x32: {  	s10 =	sld [smem:$0x3FB8];
	_ =	sdelay $0x3  }
0x33: {  	p0 =	seq.s32 s10, $0x1;
	s10 =	sld [smem:$0x3FBA];
	_ =	sdelay $0x3  }
0x34: {  	[smem:$0x3FBA] =	sst s10  }
0x35: {  	s10 =	sld [smem:$0x3FB9];
	_ =	sdelay $0x3  }
0x36: {  	p1 =	seq.s32 s10, $0x1;
	s10 =	sld [smem:$0x3FBA];
	_ =	sdelay $0x3  }
0x37: {  	[smem:$0x3FBA] =	sst s10  }
0x38: {  	s10 =	sld [smem:$0x3FBB]  }
0x39: {  	_ = 	snop;
	(pc) =	sbr.ind lr, $3  }
0x3a: {  	_ = 	snop  }
0x3b: {  	_ = 	snop  }
0x3c: {  	p2 =	seq.s32 s10, $0x1;
	s10 =	sld [smem:$0x3FBA]  }
0x3d: {  	_ =	shalt  }
0x3e: {  	_ =	shalt  }
0x3f: {  	_ =	shalt  }
0x40: {  	_ =	shalt  }
0x41: {  	_ =	shalt  }
0x42: {  	_ =	shalt  }
0x43: {  	_ =	shalt  }
0x44: {  	_ =	shalt  }
0x45: {  	_ =	shalt  }
0x46: {  	_ =	shalt  }
0x47: {  	_ =	shalt  }
0x48: {  	_ =	shalt  }
0x49: {  	_ =	shalt  }
0x4a: {  	_ =	shalt  }
0x4b: {  	_ =	shalt  }
0x4c: {  	_ =	shalt  }
0x4d: {  	_ =	shalt  }
0x4e: {  	_ =	shalt  }
0x4f: {  	_ =	shalt  }
0x50: {  	_ =	shalt  }
0x51: {  	_ =	shalt  }
0x52: {  	_ =	shalt  }
0x53: {  	_ =	shalt  }
0x54: {  	_ =	shalt  }
0x55: {  	_ =	shalt  }
0x56: {  	_ =	shalt  }
0x57: {  	_ =	shalt  }
0x58: {  	_ =	shalt  }
0x59: {  	_ =	shalt  }
0x5a: {  	_ =	shalt  }
0x5b: {  	_ =	shalt  }
0x5c: {  	_ =	shalt  }
0x5d: {  	_ =	shalt  }
0x5e: {  	_ =	shalt  }
0x5f: {  	_ =	shalt  }
0x60: {  	_ =	shalt  }
0x61: {  	_ =	shalt  }
0x62: {  	_ =	shalt  }
0x63: {  	_ =	shalt  }
0x64: {  	_ =	shalt  }
0x65: {  	_ =	shalt  }
0x66: {  	_ =	shalt  }
0x67: {  	_ =	shalt  }
0x68: {  	_ =	shalt  }
0x69: {  	_ =	shalt  }
0x6a: {  	_ =	shalt  }
0x6b: {  	_ =	shalt  }
0x6c: {  	_ =	shalt  }
0x6d: {  	_ =	shalt  }
0x6e: {  	_ =	shalt  }
0x6f: {  	_ =	shalt  }
0x70: {  	_ =	shalt  }
0x71: {  	_ =	shalt  }
0x72: {  	_ =	shalt  }
0x73: {  	_ =	shalt  }
0x74: {  	_ =	shalt  }
0x75: {  	_ =	shalt  }
0x76: {  	_ =	shalt  }
0x77: {  	_ =	shalt  }
0x78: {  	_ =	shalt  }
0x79: {  	_ =	shalt  }
0x7a: {  	_ =	shalt  }
0x7b: {  	_ =	shalt  }
0x7c: {  	_ =	shalt  }
0x7d: {  	_ =	shalt  }
0x7e: {  	_ =	shalt  }
0x7f: {  	_ =	shalt  }
0x80: {  	_ =	shalt  }
0x81: {  	_ =	shalt  }
0x82: {  	_ =	shalt  }
0x83: {  	_ =	shalt  }
0x84: {  	_ =	shalt  }
0x85: {  	_ =	shalt  }
0x86: {  	_ =	shalt  }
0x87: {  	_ =	shalt  }
.Lfunc_end0:
.L_simem_size_0:
called_computation_lowered:
.L_overlay_start_0:
0x88: {  	s2 =	sld [smem:$0x3FD9]  }
0x89: {  	s3 =	sld [smem:$0x3FFE];
	_ =	sdelay $0x1  }
0x8a: {  	s1 =	srdreg.scid  }
0x8b: {  	s0 =	sand.u32 $0x1, s1  }
0x8c: {  	s18 =	sshll.u32 s0, $0xA;
	s2 =	sadd.s32 s3, s2  }
0x8d: {  	s2 =	sadd.s32 s2, s18  }
0x8e: {  	[smem:$0x3FC6] =	sst s2  }
0x8f: {  	_ = 	snop  }
0x90: {  	s2 =	sld [smem:$0x3FC9]  }
0x91: {  	s19 =	sld [smem:$0x3FC8]  }
0x92: {  	s4 =	sld [smem:$0x3FD0];
	(tm) =	ssettm $0x1  }
0x93: {  	s5 =	sld [smem:$0x3FFB];
	_ =	sdelay $0x3  }
0x94: {  	_ =	strace s5  }
0x95: {  	s5 =	sld [smem:$0x3FFC];
	_ =	sdelay $0x3  }
0x96: {  	_ =	strace s5  }
0x97: {  	s5 =	sld [smem:$0x3FFD];
	_ =	sdelay $0x3  }
0x98: {  	_ =	strace s5  }
0x99: {  	_ =	strace $0x8FFFFFFF  }
0x9a: {  	s20 =	sld [smem:$0x3FDB];
	_ =	sdelay $0x1  }
0x9b: {  	s6 =	simm.s32 $_scs_section_size  }
0x9c: {  	s7 =	simm.s32 $_size__tile_overlayer_lowered;
	s8 =	simm.s32 $_tile_overlayer_lowered  }
0x9d: {  	s23 =	simm.s32 $0x1BFF;
	s22 =	sshll.u32 s8, $0x1;
	s5 =	sadd.s32 s6, s20  }
0x9e: {  	s9 =	simm.s32 $0x0;
	s21 =	sshll.u32 s7, $0x1;
	s7 =	sadd.s32 s22, s5  }
0x9f: {  	[timem:s9], [sflag:s23] =	dma.local [hbm:s7], s21  }
0xa0: {  	_ =	swait.ge [sflag:s23], s21  }
0xa1: {  	s6 =	ssub.s32 $0x0, s21;
	[sflag:s23] =	ssyncset.done $0x0  }
0xa2: {  	[sflag:s23] =	ssyncadd.s32 s6;
	_ =	sdelay $0x1  }
0xa3: {  	s24 =	simm.s32 $0x1B8B  }
0xa4: {  	_ =	swait.ge [sflag:s24], $0x1  }
0xa5: {  	[sflag:s24] =	ssyncset.done $0x0  }
0xa6: {  	s25 =	simm.s32 $0x1B8E;
	[sflag:s24] =	ssyncadd.s32 $0xFFFFFFFF  }
0xa7: {  	s26 =	simm.s32 $execute0_lowered;
	[smem:$0x3FD2] =	sst s25  }
0xa8: {  	s6 =	sshll.u32 s26, $0x1;
	_ =	strace $0x80000046;
	[dreg:$0x1] =	wrdreg $0xFFFFFFFF  }
0xa9: {  	s28 =	simm.s32 $_size_execute0_lowered;
	s5 =	sadd.s32 s5, s6;
	[dreg:$0x0] =	wrdreg $0x0  }
0xaa: {  	s6 =	sshll.u32 s28, $0x1;
	[dreg:$0x2] =	wrdreg s5  }
0xab: {  	[dreg:$0x3] =	wrdreg s6  }
0xac: {  	[dreg:$0x4] =	wrdreg $0xC0  }
0xad: {  	_ =	task [dreg:s9], $0x5FFFF  }
0xae: {  	[dreg:$0x1] =	wrdreg $0xFFFFFFFF  }
0xaf: {  	[dreg:$0x0] =	wrdreg $0x60  }
0xb0: {  	[dreg:$0x2] =	wrdreg s2  }
0xb1: {  	[dreg:$0x3] =	wrdreg s19  }
0xb2: {  	[dreg:$0x4] =	wrdreg s4  }
0xb3: {  	[dreg:$0x5] =	wrdreg $0x9  }
0xb4: {  	_ =	task.clear_ibuf [dreg:s9], $0x6FFFF;
	_ =	strace $0x90000046  }
0xb5: {  	s29 =	simm.s32 $0x9;
	_ =	strace $0x80000048  }
0xb6: {  	_ =	swait.ge [sflag:s29], $0x1  }
0xb7: {  	[sflag:s29] =	ssyncadd.s32 $0xFFFFFFFF  }
0xb8: {  	_ =	strace $0x90000048  }
0xb9: {  	_ =	sfence  }
0xba: {  	s30 =	sld [smem:$0x0];
	_ =	sdelay $0x2  }
0xbb: {  	s31 =	sshll.u32 s1, $0xD;
	s1 =	sshrl.u32 s1, $0x2  }
0xbc: {  	s3 =	sand.u32 $0x4000, s31;
	s1 =	sadd.s32 s1, s30  }
0xbd: {  	s0 =	sor.u32 s3, s0;
	s1 =	sshll.u32 s1, $0x11  }
0xbe: {  	s0 =	sor.u32 s1, s0  }
0xbf: {  	s0 =	sadd.s32 $0x8F2B, s0  }
0xc0: {  	[sflag:s0] =	ssyncadd.remote.s32 $0x1  }
0xc1: {  	_ =	sfence.sel $0xFFFF  }
0xc2: {  	[dreg:$0x0] =	wrdreg $0xFFFFFFFF;
	(pc) =	sbr.abs _section_cstart, $3  }
0xc3: {  	[dreg:$0x1] =	wrdreg $0xFFFFFFFF  }
0xc4: {  	_ =	task.clear_ibuf [dreg:s9], $0x2FFFF;
	_ =	strace $0x9FFFFFFF  }
0xc5: {  	(tm) =	ssettm $0x7FFFFFFF  }
tec
execute0_lowered:
.L_overlay_start_1:
0x0: {  	(tag) =	ssettag $0x1  }
0x1: {  	s0 =	rddreg [dreg:$0x0]  }
0x2: {  	s3 =	rddreg [dreg:$0x2]  }
0x3: {  	s1 =	srdreg.scid;
	s5 =	simm.s32 $0x0;
	s4 =	stileid.u32  }
0x4: {  	s18 =	simm.s32 $0x200;
	s19 =	simm.s32 $0x400;
	s20 =	simm.s32 $0x1000  }
0x5: {  	s21 =	simm.s32 $0x5000;
	s28 =	simm.s32 $0x2;
	s29 =	simm.s32 $0x6  }
0x6: {  	s30 =	simm.s32 $0x15000;
	s31 =	simm.s32 $0x3;
	s1 =	sand.u32 $0x1, s1  }
0x7: {  	s4 =	sshll.u32 s4, $0x11;
	[smem:$0x7FF] =	sst s5;
	s11 =	sadd.s32 $0x40, s3  }
0x8: {  	s13 =	sadd.s32 $0x1000, s3;
	s2 =	ssub.s32 $0x2, s1;
	s1 =	sshll.u32 s1, $0x10  }
0x9: {  	s15 =	sadd.s32 $0x1040, s3;
	_ =	strace $0x80000047;
	s5 =	sor.u32 s1, s4  }
0xa: {  	s6 =	sshrl.u32 s2, $0x1;
	s1 =	simm.s32 $0x0;
	s0 =	sadd.s32 s0, s5  }
0xb: {  	s22 =	ssub.s32 s2, s6;
	s2 =	simm.s32 $0x4;
	s23 =	sadd.s32 $0x40, s0  }
0xc: {  	s24 =	sadd.s32 $0x1000, s0;
	s25 =	sadd.s32 $0x1040, s0;
	[dreg:$0x4] =	wrdreg s0  }
.Ltmp0:
0xd: {  	s10 =	sadd.s32 $0x2000, s0;
	[dreg:$0x5] =	wrdreg s23;
	(pc) =	sbr.rel .LBB2_1-.Ltmp0, $4  }
0xe: {  	s12 =	sadd.s32 $0x2040, s0;
	s14 =	sadd.s32 $0x3000, s0;
	[dreg:$0x6] =	wrdreg s24  }
0xf: {  	s16 =	sadd.s32 $0x3040, s0;
	s26 =	smax.u32 s22, $0x1;
	[dreg:$0x7] =	wrdreg s25  }
0x10: {  	s22 =	simm.s32 $0x9000;
	s0 =	simm.s32 $0x5;
	[dreg:$0x8] =	wrdreg s26  }
0x11: {  	s23 =	simm.s32 $0xD000;
	s25 =	simm.s32 $0x1;
	s26 =	simm.s32 $0x11000  }
.LBB2_16:
0x12: {  	_ =	swait.ge [sflag:s0], $0x4000  }
0x13: {  	[sflag:s0] =	ssyncset.done $0x0  }
0x14: {  	[sflag:s0] =	ssyncadd.s32 $0xFFFFC000  }
0x15: {  	_ =	swait.ge [sflag:s29], $0x4000  }
0x16: {  	s1 =	sadd.s32 $0x1, s1;
	s4 =	rddreg [dreg:$0x8]  }
0x17: {  	p0 =	sne.s32 s1, s4  }
.Ltmp1:
0x18: {  	_ = 	snop;
	(pc) =	sbr.rel @!p0 .LBB2_17-.Ltmp1, $3  }
0x19: {  	_ =	sdelay $0x1  }
0x1a: {  	[sflag:s29] =	ssyncset.done $0x0  }
0x1b: {  	[sflag:s29] =	ssyncadd.s32 $0xFFFFC000  }
.LBB2_1:
0x1c: {  	s4 =	rddreg [dreg:$0x4]  }
0x1d: {  	[tilespmem:s20], [sflag:$0x1] =	stream.strided.gather [hbm4b:s4+s18], $0x4000, s19, s18, $0x38;
	[tilespmem:$0x19000] =	vst v63  }
0x1e: {  	s7 =	rddreg [dreg:$0x5]  }
0x1f: {  	[tilespmem:s21], [sflag:$0x2] =	stream.strided.gather [hbm4b:s7+s18], $0x4000, s19, s18, $0x38;
	[tilespmem:$0x19000] =	vst v63  }
0x20: {  	s8 =	rddreg [dreg:$0x6]  }
0x21: {  	[tilespmem:s22], [sflag:$0x3] =	stream.strided.gather [hbm4b:s8+s18], $0x4000, s19, s18, $0x38;
	[tilespmem:$0x19000] =	vst v63  }
0x22: {  	s9 =	rddreg [dreg:$0x7]  }
0x23: {  	[tilespmem:s23], [sflag:$0x4] =	stream.strided.gather [hbm4b:s9+s18], $0x4000, s19, s18, $0x38;
	[tilespmem:$0x19000] =	vst v63  }
0x24: {  	s17 =	rddreg [dreg:$0x1];
	s6 =	simm.s32 $0x0;
	s24 =	simm.s32 $0x7  }
0x25: {  	[tilespmem:s6], [sflag:$0x7] =	stream.linear.gather [hbm4b:s17+s6], $0x1000, $0x38;
	[tilespmem:$0x19000] =	vst v63  }
0x26: {  	_ =	swait.ge [sflag:s24], $0x1000  }
0x27: {  	[sflag:s24] =	ssyncset.done $0x0  }
0x28: {  	s4 =	simm.s32 $0x0;
	[sflag:s24] =	ssyncadd.s32 $0xFFFFF000  }
.LBB2_2:
0x29: {  	_ =	swait.ge [sflag:s25], $0x4000  }
0x2a: {  	p0 =	seq.s32 s4, $0x0;
	[sflag:s25] =	ssyncset.done $0x0  }
0x2b: {  	s6 =	simm.s32 @!p0 $0x5;
	[sflag:s25] =	ssyncadd.s32 $0xFFFFC000  }
0x2c: {  	_ =	swait.ge @!p0 [sflag:s6], $0x4000  }
0x2d: {  	[sflag:s6] =	ssyncset.done @!p0 $0x0  }
0x2e: {  	s24 =	simm.s32 $0x40;
	[sflag:s6] =	ssyncadd.s32 @!p0 $0xFFFFC000  }
0x2f: {  	v0 =	vld [tilespmem:s24+$0xFFFFFFC0]  }
0x30: {  	v1 =	vld [tilespmem:s24+$0x10]  }
0x31: {  	v3 =	vld [tilespmem:s24+$0xFFFFFFE0]  }
0x32: {  	v2 =	vld [tilespmem:s24+$0x0];
	_ =	sdelay $0x1  }
0x33: {  	v6 =	vld [tilespmem:s24+$0x20]  }
0x34: {  	v7 =	vld [tilespmem:s24+$0xFFFFFFF0];
	v4 =	vshll.u32 v0, $0x2;
	v0 =	vand.u32 $0x7F, v0;
	v5 =	vshll.u32 v1, $0x2  }
0x35: {  	v1 =	vand.u32 $0x7F, v1;
	v9 =	vshll.u32 v3, $0x2;
	v4 =	vand.u32 $0xFFFFFE00, v4  }
0x36: {  	v8 =	vld [tilespmem:s24+$0xFFFFFFD0];
	v3 =	vand.u32 $0x7F, v3;
	v4 =	vor.u32 v0, v4;
	v0 =	vshll.u32 v2, $0x2  }
0x37: {  	v5 =	vand.u32 $0xFFFFFE00, v5;
	v2 =	vand.u32 $0x7F, v2;
	v0 =	vand.u32 $0xFFFFFE00, v0  }
0x38: {  	v5 =	vor.u32 v1, v5;
	v0 =	vor.u32 v2, v0;
	v2 =	vand.u32 $0xFFFFFE00, v9;
	v9 =	vld [tilespmem:s24+$0x30]  }
0x39: {  	v11 =	vand.u32 $0x7F, v7;
	v2 =	vor.u32 v3, v2;
	v3 =	vshll.u32 v6, $0x2  }
0x3a: {  	v1 =	vand.u32 $0x7F, v6;
	v13 =	vor.u32 $0x80, v4;
	v3 =	vand.u32 $0xFFFFFE00, v3  }
0x3b: {  	v6 =	vshll.u32 v7, $0x2;
	v10 =	vld.idx.msk [tilespmem:v4+s20+$0x0], $0xffff;
	v1 =	vor.u32 v1, v3;
	v3 =	vshll.u32 v8, $0x2  }
0x3c: {  	v6 =	vand.u32 $0xFFFFFE00, v6;
	v8 =	vand.u32 $0x7F, v8;
	v3 =	vand.u32 $0xFFFFFE00, v3  }
0x3d: {  	v6 =	vor.u32 v11, v6;
	v17 =	vld.idx.msk [tilespmem:v5+s20+$0x0], $0xffff;
	v7 =	vor.u32 v8, v3;
	v3 =	vshll.u32 v9, $0x2  }
0x3e: {  	v12 =	vld.idx.msk [tilespmem:v0+s20+$0x0], $0xffff;
	v8 =	vand.u32 $0x7F, v9;
	v3 =	vand.u32 $0xFFFFFE00, v3  }
0x3f: {  	s9 =	simm.s32 $0x11100;
	v11 =	vld.idx.msk [tilespmem:v2+s20+$0x0], $0xffff;
	v3 =	vor.u32 v8, v3  }
0x40: {  	v20 =	vor.u32 $0x80, v0;
	[tilespmem:s9+$0xFFFFFF00] =	vst v10;
	v9 =	vld.idx.msk [tilespmem:v1+s20+$0x0], $0xffff  }
0x41: {  	v18 =	vld.idx.msk [tilespmem:v13+s20+$0x0], $0xffff;
	v13 =	vor.u32 $0x80, v5  }
0x42: {  	s7 =	sshll.u32 s4, $0xD;
	s17 =	simm.s32 $0x0;
	v15 =	vor.u32 $0x80, v2;
	v16 =	vld.idx.msk [tilespmem:v6+s20+$0x0], $0xffff  }
0x43: {  	s8 =	sor.u32 s5, s7;
	s6 =	simm.s32 $0xC0;
	s24 =	simm.s32 $0x11100;
	v14 =	vor.u32 $0x80, v7;
	v8 =	vor.u32 $0x80, v3;
	v10 =	vor.u32 $0x80, v1;
	v19 =	vld.idx.msk [tilespmem:v7+s20+$0x0], $0xffff  }
.LBB2_3:
0x44: {  	s17 =	sadd.s32 $0x8, s17;
	[tilespmem:s9+$0xFFFFFF40] =	vst v12;
	v12 =	vld.idx.msk [tilespmem:v3+s20+$0x0], $0xffff;
	s24 =	sadd.s32 $0x200, s24  }
0x45: {  	p1 =	slt.u32 s17, $0xF8;
	v20 =	vld.idx.msk [tilespmem:v20+s20+$0x0], $0xffff;
	[tilespmem:s9+$0xFFFFFF50] =	vst v17  }
0x46: {  	v17 =	vor.u32 $0x100, v4;
	v13 =	vld.idx.msk [tilespmem:v13+s20+$0x0], $0xffff  }
0x47: {  	v21 =	vld [tilespmem:s6+$0x10];
	[tilespmem:s9+$0xFFFFFF80] =	vst v18  }
0x48: {  	v18 =	vld [tilespmem:s6+$0xFFFFFFE0];
	[tilespmem:s9+$0xFFFFFF10] =	vst v19;
	v19 =	vor.u32 $0x80, v6  }
0x49: {  	v14 =	vld.idx.msk [tilespmem:v14+s20+$0x0], $0xffff;
	[tilespmem:s9+$0xFFFFFF20] =	vst v11  }
0x4a: {  	v11 =	vld.idx.msk [tilespmem:v15+s20+$0x0], $0xffff;
	[tilespmem:s9+$0xFFFFFF70] =	vst v12  }
0x4b: {  	v12 =	vld.idx.msk [tilespmem:v17+s20+$0x0], $0xffff;
	[tilespmem:s9+$0xFFFFFFC0] =	vst v20  }
0x4c: {  	v15 =	vld [tilespmem:s6+$0xFFFFFFF0];
	[tilespmem:s9+$0xFFFFFF30] =	vst v16  }
0x4d: {  	v16 =	vld.idx.msk [tilespmem:v19+s20+$0x0], $0xffff;
	[tilespmem:s9+$0xFFFFFFD0] =	vst v13  }
0x4e: {  	v13 =	vld [tilespmem:s6+$0xFFFFFFC0];
	[tilespmem:s9+$0xFFFFFF60] =	vst v9  }
0x4f: {  	[tilespmem:s9+$0xFFFFFF90] =	vst v14;
	v8 =	vld.idx.msk [tilespmem:v8+s20+$0x0], $0xffff  }
0x50: {  	v9 =	vld [tilespmem:s6+$0x20];
	[tilespmem:s9+$0xFFFFFFA0] =	vst v11;
	v11 =	vor.u32 $0x100, v5  }
0x51: {  	v14 =	vld [tilespmem:s6+$0x30];
	[tilespmem:s9+$0x0] =	vst v12;
	v12 =	vor.u32 $0x100, v7  }
0x52: {  	v19 =	vor.u32 $0x100, v6;
	v17 =	vld [tilespmem:s6+$0xFFFFFFD0]  }
0x53: {  	v20 =	vor.u32 $0x180, v4;
	[tilespmem:s9+$0xFFFFFFB0] =	vst v16;
	v10 =	vld.idx.msk [tilespmem:v10+s20+$0x0], $0xffff  }
0x54: {  	v22 =	vor.u32 $0x100, v2;
	v23 =	vor.u32 $0x180, v5;
	v5 =	vor.u32 $0x100, v1;
	v16 =	vld [tilespmem:s6+$0x0]  }
0x55: {  	v24 =	vor.u32 $0x100, v0;
	v4 =	vshll.u32 v13, $0x2;
	v11 =	vld.idx.msk [tilespmem:v11+s20+$0x0], $0xffff;
	[tilespmem:s9+$0xFFFFFFF0] =	vst v8;
	v8 =	vor.u32 $0x100, v3  }
0x56: {  	v4 =	vand.u32 $0xFFFFFE00, v4;
	v25 =	vand.u32 $0x7F, v14;
	v14 =	vshll.u32 v14, $0x2;
	v12 =	vld.idx.msk [tilespmem:v12+s20+$0x0], $0xffff  }
0x57: {  	v6 =	vor.u32 $0x180, v6;
	v13 =	vand.u32 $0x7F, v13;
	v14 =	vand.u32 $0xFFFFFE00, v14;
	v19 =	vld.idx.msk [tilespmem:v19+s20+$0x0], $0xffff  }
0x58: {  	v7 =	vor.u32 $0x180, v7;
	v4 =	vor.u32 v13, v4;
	v13 =	vshll.u32 v21, $0x2;
	v20 =	vld.idx.msk [tilespmem:v20+s20+$0x0], $0xffff  }
0x59: {  	v26 =	vshll.u32 v15, $0x2;
	v14 =	vor.u32 v25, v14;
	v27 =	vshll.u32 v16, $0x2;
	v22 =	vld.idx.msk [tilespmem:v22+s20+$0x0], $0xffff;
	[tilespmem:s9+$0xFFFFFFE0] =	vst v10  }
0x5a: {  	v21 =	vand.u32 $0x7F, v21;
	v10 =	vand.u32 $0xFFFFFE00, v26;
	v16 =	vand.u32 $0x7F, v16;
	v25 =	vld.idx.msk [tilespmem:v5+s20+$0x0], $0xffff  }
0x5b: {  	v13 =	vand.u32 $0xFFFFFE00, v13;
	v26 =	vor.u32 $0x180, v2;
	v5 =	vand.u32 $0xFFFFFE00, v27;
	[tilespmem:s9+$0x50] =	vst v11;
	v8 =	vld.idx.msk [tilespmem:v8+s20+$0x0], $0xffff  }
0x5c: {  	v2 =	vshll.u32 v18, $0x2;
	v11 =	vor.u32 v16, v5;
	v5 =	vor.u32 v21, v13;
	[tilespmem:s9+$0x10] =	vst v12;
	v12 =	vld.idx.msk [tilespmem:v24+s20+$0x0], $0xffff  }
0x5d: {  	v2 =	vand.u32 $0xFFFFFE00, v2;
	v13 =	vor.u32 $0x180, v3;
	v3 =	vmov v14;
	v7 =	vld.idx.msk [tilespmem:v7+s20+$0x0], $0xffff;
	[tilespmem:s9+$0x30] =	vst v19  }
0x5e: {  	v14 =	vand.u32 $0x7F, v18;
	v18 =	vor.u32 $0x180, v0;
	v0 =	vmovc v11;
	v19 =	vor.u32 $0x180, v1;
	[tilespmem:s9+$0x80] =	vst v20;
	v16 =	vld.idx.msk [tilespmem:v6+s20+$0x0], $0xffff  }
0x5f: {  	v21 =	vor.u32 $0x80, v4;
	v2 =	vor.u32 v14, v2;
	v1 =	vand.u32 $0x7F, v15;
	[tilespmem:s9+$0x20] =	vst v22;
	v11 =	vld.idx.msk [tilespmem:v23+s20+$0x0], $0xffff  }
0x60: {  	v6 =	vor.u32 v1, v10;
	v1 =	vshll.u32 v9, $0x2;
	v10 =	vld.idx.msk [tilespmem:v26+s20+$0x0], $0xffff;
	[tilespmem:s9+$0x60] =	vst v25  }
0x61: {  	v9 =	vand.u32 $0x7F, v9;
	v1 =	vand.u32 $0xFFFFFE00, v1;
	v15 =	vld.idx.msk [tilespmem:v4+s20+$0x0], $0xffff;
	[tilespmem:s9+$0x70] =	vst v8  }
0x62: {  	v1 =	vor.u32 v9, v1;
	[tilespmem:s9+$0x40] =	vst v12;
	v22 =	vld.idx.msk [tilespmem:v13+s20+$0x0], $0xffff  }
0x63: {  	v8 =	vshll.u32 v17, $0x2;
	v13 =	vor.u32 $0x80, v5;
	v12 =	vld.idx.msk [tilespmem:v0+s20+$0x0], $0xffff;
	[tilespmem:s9+$0x90] =	vst v7  }
0x64: {  	v9 =	vand.u32 $0xFFFFFE00, v8;
	v8 =	vor.u32 $0x80, v3;
	v7 =	vand.u32 $0x7F, v17;
	[tilespmem:s9+$0xB0] =	vst v16;
	v16 =	vld.idx.msk [tilespmem:v18+s20+$0x0], $0xffff  }
0x65: {  	v7 =	vor.u32 v7, v9;
	[tilespmem:s9+$0xD0] =	vst v11;
	v23 =	vld.idx.msk [tilespmem:v19+s20+$0x0], $0xffff  }
0x66: {  	v14 =	vor.u32 $0x80, v7;
	v11 =	vld.idx.msk [tilespmem:v2+s20+$0x0], $0xffff  }
.Ltmp2:
0x67: {  	[tilespmem:s24+$0xFFFFFF00] =	vst v15;
	v15 =	vor.u32 $0x80, v2;
	v17 =	vld.idx.msk [tilespmem:v5+s20+$0x0], $0xffff;
	(pc) =	sbr.rel @p1 .LBB2_3-.Ltmp2, $4  }
0x68: {  	v20 =	vor.u32 $0x80, v0;
	v9 =	vld.idx.msk [tilespmem:v1+s20+$0x0], $0xffff;
	[tilespmem:s9+$0xF0] =	vst v22  }
0x69: {  	v18 =	vld.idx.msk [tilespmem:v21+s20+$0x0], $0xffff;
	[tilespmem:s9+$0xA0] =	vst v10  }
0x6a: {  	v19 =	vld.idx.msk [tilespmem:v7+s20+$0x0], $0xffff;
	[tilespmem:s9+$0xC0] =	vst v16  }
0x6b: {  	s6 =	sadd.s32 $0x80, s6;
	v10 =	vor.u32 $0x80, v1;
	v16 =	vld.idx.msk [tilespmem:v6+s20+$0x0], $0xffff;
	[tilespmem:s9+$0xE0] =	vst v23;
	s9 =	smov.u32 s24  }
0x6c: {  	_ =	sdelay $0x1  }
0x6d: {  	[tilespmem:s9+$0xFFFFFF40] =	vst v12  }
0x6e: {  	[tilespmem:s9+$0xFFFFFF50] =	vst v17  }
0x6f: {  	v34 =	vld.idx.msk [tilespmem:v3+s20+$0x0], $0xffff;
	[tilespmem:s9+$0xFFFFFF20] =	vst v11  }
0x70: {  	v36 =	vor.u32 $0x80, v6;
	v35 =	vld.idx.msk [tilespmem:v20+s20+$0x0], $0xffff;
	[tilespmem:s9+$0xFFFFFF60] =	vst v9  }
0x71: {  	v37 =	vor.u32 $0x100, v4;
	v13 =	vld.idx.msk [tilespmem:v13+s20+$0x0], $0xffff;
	[tilespmem:s9+$0xFFFFFF80] =	vst v18  }
0x72: {  	v39 =	vld.idx.msk [tilespmem:v15+s20+$0x0], $0xffff;
	[tilespmem:s9+$0xFFFFFF10] =	vst v19  }
0x73: {  	v40 =	vor.u32 $0x100, v5;
	v9 =	vld.idx.msk [tilespmem:v10+s20+$0x0], $0xffff;
	[tilespmem:s9+$0xFFFFFF30] =	vst v16  }
0x74: {  	v46 =	vor.u32 $0x100, v2;
	v38 =	vld.idx.msk [tilespmem:v14+s20+$0x0], $0xffff;
	[tilespmem:s9+$0xFFFFFF70] =	vst v34  }
0x75: {  	v51 =	vor.u32 $0x100, v0;
	v41 =	vld.idx.msk [tilespmem:v36+s20+$0x0], $0xffff;
	[tilespmem:s9+$0xFFFFFFC0] =	vst v35  }
0x76: {  	v49 =	vor.u32 $0x100, v1;
	v43 =	vld.idx.msk [tilespmem:v37+s20+$0x0], $0xffff;
	[tilespmem:s9+$0xFFFFFFD0] =	vst v13  }
0x77: {  	v42 =	vor.u32 $0x100, v7;
	v8 =	vld.idx.msk [tilespmem:v8+s20+$0x0], $0xffff;
	[tilespmem:s9+$0xFFFFFFA0] =	vst v39  }
0x78: {  	v44 =	vor.u32 $0x100, v6;
	v47 =	vld.idx.msk [tilespmem:v40+s20+$0x0], $0xffff;
	[tilespmem:s9+$0xFFFFFFE0] =	vst v9  }
0x79: {  	v45 =	vor.u32 $0x180, v4;
	v54 =	vld.idx.msk [tilespmem:v46+s20+$0x0], $0xffff;
	[tilespmem:s9+$0xFFFFFF90] =	vst v38  }
0x7a: {  	v48 =	vor.u32 $0x100, v3;
	v60 =	vld.idx.msk [tilespmem:v51+s20+$0x0], $0xffff;
	[tilespmem:s9+$0xFFFFFFB0] =	vst v41  }
0x7b: {  	v55 =	vor.u32 $0x180, v5;
	v57 =	vld.idx.msk [tilespmem:v49+s20+$0x0], $0xffff;
	[tilespmem:s9+$0x0] =	vst v43  }
0x7c: {  	v59 =	vor.u32 $0x180, v2;
	v50 =	vld.idx.msk [tilespmem:v42+s20+$0x0], $0xffff;
	[tilespmem:s9+$0xFFFFFFF0] =	vst v8  }
0x7d: {  	v61 =	vor.u32 $0x180, v0;
	v13 =	vld.idx.msk [tilespmem:v44+s20+$0x0], $0xffff;
	[tilespmem:s9+$0x50] =	vst v47  }
0x7e: {  	v63 =	vor.u32 $0x180, v1;
	v4 =	vld.idx.msk [tilespmem:v45+s20+$0x0], $0xffff;
	[tilespmem:s9+$0x20] =	vst v54  }
0x7f: {  	v52 =	vor.u32 $0x180, v7;
	v56 =	vld.idx.msk [tilespmem:v48+s20+$0x0], $0xffff;
	[tilespmem:s9+$0x40] =	vst v60  }
0x80: {  	v53 =	vor.u32 $0x180, v6;
	v5 =	vld.idx.msk [tilespmem:v55+s20+$0x0], $0xffff;
	[tilespmem:s9+$0x60] =	vst v57  }
0x81: {  	v58 =	vor.u32 $0x180, v3;
	v2 =	vld.idx.msk [tilespmem:v59+s20+$0x0], $0xffff;
	[tilespmem:s9+$0x10] =	vst v50  }
0x82: {  	v0 =	vld.idx.msk [tilespmem:v61+s20+$0x0], $0xffff;
	[tilespmem:s9+$0x30] =	vst v13  }
0x83: {  	v1 =	vld.idx.msk [tilespmem:v63+s20+$0x0], $0xffff;
	[tilespmem:s9+$0x80] =	vst v4  }
0x84: {  	v7 =	vld.idx.msk [tilespmem:v52+s20+$0x0], $0xffff;
	[tilespmem:s9+$0x70] =	vst v56  }
0x85: {  	v62 =	vld.idx.msk [tilespmem:v53+s20+$0x0], $0xffff;
	[tilespmem:s9+$0xD0] =	vst v5  }
0x86: {  	v3 =	vld.idx.msk [tilespmem:v58+s20+$0x0], $0xffff;
	[tilespmem:s9+$0xA0] =	vst v2  }
0x87: {  	p1 =	sne.s32 s4, $0x7;
	[tilespmem:s9+$0xC0] =	vst v0  }
.Ltmp3:
0x88: {  	[tilespmem:s9+$0xE0] =	vst v1;
	(pc) =	sbr.rel @p1 .LBB2_6-.Ltmp3, $4  }
0x89: {  	[tilespmem:s9+$0x90] =	vst v7  }
0x8a: {  	[tilespmem:s9+$0xB0] =	vst v62  }
0x8b: {  	s6 =	sadd.s32 s3, s8;
	[tilespmem:s9+$0xF0] =	vst v3  }
0x8c: {  	[hbm4b:s6+s18] =	stream.strided.scatter [tilespmem:s26], [sflag:$0x5], $0x4000, s19, s18, $0x38;
	[tilespmem:$0x19000] =	vst v63  }
.Ltmp4:
0x8d: {  	(pc) =	sbr.rel .LBB2_7-.Ltmp4, $4  }
0x8e: {  	_ = 	snop  }
0x8f: {  	_ =	swait.ge [sflag:s28], $0x4000  }
0x90: {  	[sflag:s28] =	ssyncset.done $0x0  }
0x91: {  	[sflag:s28] =	ssyncadd.s32 $0xFFFFC000  }
.LBB2_6:
.Ltmp5:
0x92: {  	s6 =	sadd.s32 s7, s10;
	(pc) =	sbr.rel @p0 .LBB2_8-.Ltmp5, $4  }
0x93: {  	[tilespmem:s20], [sflag:$0x1] =	stream.strided.gather [hbm4b:s6+s18], $0x4000, s19, s18, $0x38;
	[tilespmem:$0x19000] =	vst v63  }
0x94: {  	_ =	swait.ge [sflag:s28], $0x4000  }
0x95: {  	[sflag:s28] =	ssyncset.done $0x0  }
0x96: {  	[sflag:s28] =	ssyncadd.s32 $0xFFFFC000  }
.LBB2_7:
0x97: {  	_ =	swait.ge [sflag:s29], $0x4000  }
0x98: {  	[sflag:s29] =	ssyncset.done $0x0  }
0x99: {  	[sflag:s29] =	ssyncadd.s32 $0xFFFFC000  }
.LBB2_8:
0x9a: {  	s6 =	simm.s32 $0x40  }
0x9b: {  	v0 =	vld [tilespmem:s6+$0xFFFFFFC0]  }
0x9c: {  	v1 =	vld [tilespmem:s6+$0x10]  }
0x9d: {  	v3 =	vld [tilespmem:s6+$0xFFFFFFE0]  }
0x9e: {  	v2 =	vld [tilespmem:s6+$0x0];
	_ =	sdelay $0x1  }
0x9f: {  	v6 =	vld [tilespmem:s6+$0x20]  }
0xa0: {  	v7 =	vld [tilespmem:s6+$0xFFFFFFF0];
	v4 =	vshll.u32 v0, $0x2;
	v0 =	vand.u32 $0x7F, v0;
	v5 =	vshll.u32 v1, $0x2  }
0xa1: {  	v1 =	vand.u32 $0x7F, v1;
	v9 =	vshll.u32 v3, $0x2;
	v4 =	vand.u32 $0xFFFFFE00, v4  }
0xa2: {  	v8 =	vld [tilespmem:s6+$0xFFFFFFD0];
	v3 =	vand.u32 $0x7F, v3;
	v4 =	vor.u32 v0, v4;
	v0 =	vshll.u32 v2, $0x2  }
0xa3: {  	v5 =	vand.u32 $0xFFFFFE00, v5;
	v2 =	vand.u32 $0x7F, v2;
	v0 =	vand.u32 $0xFFFFFE00, v0  }
0xa4: {  	v5 =	vor.u32 v1, v5;
	v0 =	vor.u32 v2, v0;
	v2 =	vand.u32 $0xFFFFFE00, v9;
	v9 =	vld [tilespmem:s6+$0x30]  }
0xa5: {  	v11 =	vand.u32 $0x7F, v7;
	v2 =	vor.u32 v3, v2;
	v3 =	vshll.u32 v6, $0x2  }
0xa6: {  	v1 =	vand.u32 $0x7F, v6;
	v12 =	vor.u32 $0x80, v4;
	v3 =	vand.u32 $0xFFFFFE00, v3  }
0xa7: {  	v6 =	vshll.u32 v7, $0x2;
	v10 =	vld.idx.msk [tilespmem:v4+s21+$0x0], $0xffff;
	v1 =	vor.u32 v1, v3;
	v3 =	vshll.u32 v8, $0x2  }
0xa8: {  	v6 =	vand.u32 $0xFFFFFE00, v6;
	v8 =	vand.u32 $0x7F, v8;
	v3 =	vand.u32 $0xFFFFFE00, v3  }
0xa9: {  	v6 =	vor.u32 v11, v6;
	v17 =	vld.idx.msk [tilespmem:v5+s21+$0x0], $0xffff;
	v7 =	vor.u32 v8, v3;
	v3 =	vshll.u32 v9, $0x2  }
0xaa: {  	v13 =	vld.idx.msk [tilespmem:v0+s21+$0x0], $0xffff;
	v8 =	vand.u32 $0x7F, v9;
	v3 =	vand.u32 $0xFFFFFE00, v3  }
0xab: {  	s9 =	simm.s32 $0x15100;
	v11 =	vld.idx.msk [tilespmem:v2+s21+$0x0], $0xffff;
	v3 =	vor.u32 v8, v3  }
0xac: {  	v20 =	vor.u32 $0x80, v0;
	[tilespmem:s9+$0xFFFFFF00] =	vst v10;
	v10 =	vld.idx.msk [tilespmem:v1+s21+$0x0], $0xffff  }
0xad: {  	v18 =	vld.idx.msk [tilespmem:v12+s21+$0x0], $0xffff;
	v12 =	vor.u32 $0x80, v5  }
0xae: {  	v15 =	vor.u32 $0x80, v2;
	v16 =	vld.idx.msk [tilespmem:v6+s21+$0x0], $0xffff  }
0xaf: {  	s17 =	simm.s32 $0x0;
	s24 =	simm.s32 $0x15100;
	s6 =	simm.s32 $0xC0;
	v9 =	vor.u32 $0x80, v1;
	v14 =	vor.u32 $0x80, v7;
	v8 =	vor.u32 $0x80, v3;
	v19 =	vld.idx.msk [tilespmem:v7+s21+$0x0], $0xffff  }
.LBB2_9:
0xb0: {  	s17 =	sadd.s32 $0x8, s17;
	[tilespmem:s9+$0xFFFFFF40] =	vst v13;
	v13 =	vld.idx.msk [tilespmem:v3+s21+$0x0], $0xffff;
	s24 =	sadd.s32 $0x200, s24  }
0xb1: {  	p0 =	slt.u32 s17, $0xF8;
	v20 =	vld.idx.msk [tilespmem:v20+s21+$0x0], $0xffff;
	[tilespmem:s9+$0xFFFFFF50] =	vst v17  }
0xb2: {  	v17 =	vor.u32 $0x100, v4;
	v12 =	vld.idx.msk [tilespmem:v12+s21+$0x0], $0xffff  }
0xb3: {  	v21 =	vld [tilespmem:s6+$0x10];
	[tilespmem:s9+$0xFFFFFF80] =	vst v18  }
0xb4: {  	v18 =	vld [tilespmem:s6+$0xFFFFFFE0];
	[tilespmem:s9+$0xFFFFFF10] =	vst v19;
	v19 =	vor.u32 $0x80, v6  }
0xb5: {  	v14 =	vld.idx.msk [tilespmem:v14+s21+$0x0], $0xffff;
	[tilespmem:s9+$0xFFFFFF20] =	vst v11  }
0xb6: {  	v11 =	vld.idx.msk [tilespmem:v15+s21+$0x0], $0xffff;
	[tilespmem:s9+$0xFFFFFF70] =	vst v13  }
0xb7: {  	v13 =	vld.idx.msk [tilespmem:v17+s21+$0x0], $0xffff;
	[tilespmem:s9+$0xFFFFFFC0] =	vst v20  }
0xb8: {  	v15 =	vld [tilespmem:s6+$0xFFFFFFF0];
	[tilespmem:s9+$0xFFFFFF30] =	vst v16  }
0xb9: {  	v16 =	vld.idx.msk [tilespmem:v19+s21+$0x0], $0xffff;
	[tilespmem:s9+$0xFFFFFFD0] =	vst v12  }
0xba: {  	v12 =	vld [tilespmem:s6+$0xFFFFFFC0];
	[tilespmem:s9+$0xFFFFFF60] =	vst v10  }
0xbb: {  	[tilespmem:s9+$0xFFFFFF90] =	vst v14;
	v8 =	vld.idx.msk [tilespmem:v8+s21+$0x0], $0xffff  }
0xbc: {  	v10 =	vld [tilespmem:s6+$0x20];
	[tilespmem:s9+$0xFFFFFFA0] =	vst v11;
	v11 =	vor.u32 $0x100, v5  }
0xbd: {  	v14 =	vld [tilespmem:s6+$0x30];
	[tilespmem:s9+$0x0] =	vst v13;
	v13 =	vor.u32 $0x100, v7  }
0xbe: {  	v19 =	vor.u32 $0x100, v6;
	v17 =	vld [tilespmem:s6+$0xFFFFFFD0]  }
0xbf: {  	v20 =	vor.u32 $0x180, v4;
	[tilespmem:s9+$0xFFFFFFB0] =	vst v16;
	v9 =	vld.idx.msk [tilespmem:v9+s21+$0x0], $0xffff  }
0xc0: {  	v22 =	vor.u32 $0x100, v2;
	v23 =	vor.u32 $0x180, v5;
	v5 =	vor.u32 $0x100, v1;
	v16 =	vld [tilespmem:s6+$0x0]  }
0xc1: {  	v24 =	vor.u32 $0x100, v0;
	v4 =	vshll.u32 v12, $0x2;
	v11 =	vld.idx.msk [tilespmem:v11+s21+$0x0], $0xffff;
	[tilespmem:s9+$0xFFFFFFF0] =	vst v8;
	v8 =	vor.u32 $0x100, v3  }
0xc2: {  	v4 =	vand.u32 $0xFFFFFE00, v4;
	v25 =	vand.u32 $0x7F, v14;
	v14 =	vshll.u32 v14, $0x2;
	v13 =	vld.idx.msk [tilespmem:v13+s21+$0x0], $0xffff  }
0xc3: {  	v6 =	vor.u32 $0x180, v6;
	v12 =	vand.u32 $0x7F, v12;
	v14 =	vand.u32 $0xFFFFFE00, v14;
	v19 =	vld.idx.msk [tilespmem:v19+s21+$0x0], $0xffff  }
0xc4: {  	v7 =	vor.u32 $0x180, v7;
	v4 =	vor.u32 v12, v4;
	v12 =	vshll.u32 v21, $0x2;
	v20 =	vld.idx.msk [tilespmem:v20+s21+$0x0], $0xffff  }
0xc5: {  	v26 =	vshll.u32 v15, $0x2;
	v14 =	vor.u32 v25, v14;
	v27 =	vshll.u32 v16, $0x2;
	v22 =	vld.idx.msk [tilespmem:v22+s21+$0x0], $0xffff;
	[tilespmem:s9+$0xFFFFFFE0] =	vst v9  }
0xc6: {  	v21 =	vand.u32 $0x7F, v21;
	v9 =	vand.u32 $0xFFFFFE00, v26;
	v16 =	vand.u32 $0x7F, v16;
	v25 =	vld.idx.msk [tilespmem:v5+s21+$0x0], $0xffff  }
0xc7: {  	v12 =	vand.u32 $0xFFFFFE00, v12;
	v26 =	vor.u32 $0x180, v2;
	v5 =	vand.u32 $0xFFFFFE00, v27;
	[tilespmem:s9+$0x50] =	vst v11;
	v8 =	vld.idx.msk [tilespmem:v8+s21+$0x0], $0xffff  }
0xc8: {  	v2 =	vshll.u32 v18, $0x2;
	v11 =	vor.u32 v16, v5;
	v5 =	vor.u32 v21, v12;
	[tilespmem:s9+$0x10] =	vst v13;
	v12 =	vld.idx.msk [tilespmem:v24+s21+$0x0], $0xffff  }
0xc9: {  	v2 =	vand.u32 $0xFFFFFE00, v2;
	v13 =	vor.u32 $0x180, v3;
	v3 =	vmov v14;
	v7 =	vld.idx.msk [tilespmem:v7+s21+$0x0], $0xffff;
	[tilespmem:s9+$0x30] =	vst v19  }
0xca: {  	v14 =	vand.u32 $0x7F, v18;
	v18 =	vor.u32 $0x180, v0;
	v0 =	vmovc v11;
	v19 =	vor.u32 $0x180, v1;
	[tilespmem:s9+$0x80] =	vst v20;
	v16 =	vld.idx.msk [tilespmem:v6+s21+$0x0], $0xffff  }
0xcb: {  	v21 =	vor.u32 $0x80, v4;
	v2 =	vor.u32 v14, v2;
	v1 =	vand.u32 $0x7F, v15;
	[tilespmem:s9+$0x20] =	vst v22;
	v11 =	vld.idx.msk [tilespmem:v23+s21+$0x0], $0xffff  }
0xcc: {  	v6 =	vor.u32 v1, v9;
	v1 =	vshll.u32 v10, $0x2;
	v9 =	vld.idx.msk [tilespmem:v26+s21+$0x0], $0xffff;
	[tilespmem:s9+$0x60] =	vst v25  }
0xcd: {  	v10 =	vand.u32 $0x7F, v10;
	v1 =	vand.u32 $0xFFFFFE00, v1;
	v15 =	vld.idx.msk [tilespmem:v4+s21+$0x0], $0xffff;
	[tilespmem:s9+$0x70] =	vst v8  }
0xce: {  	v1 =	vor.u32 v10, v1;
	[tilespmem:s9+$0x40] =	vst v12;
	v22 =	vld.idx.msk [tilespmem:v13+s21+$0x0], $0xffff  }
0xcf: {  	v8 =	vshll.u32 v17, $0x2;
	v12 =	vor.u32 $0x80, v5;
	v13 =	vld.idx.msk [tilespmem:v0+s21+$0x0], $0xffff;
	[tilespmem:s9+$0x90] =	vst v7  }
0xd0: {  	v10 =	vand.u32 $0xFFFFFE00, v8;
	v8 =	vor.u32 $0x80, v3;
	v7 =	vand.u32 $0x7F, v17;
	[tilespmem:s9+$0xB0] =	vst v16;
	v16 =	vld.idx.msk [tilespmem:v18+s21+$0x0], $0xffff  }
0xd1: {  	v7 =	vor.u32 v7, v10;
	[tilespmem:s9+$0xD0] =	vst v11;
	v23 =	vld.idx.msk [tilespmem:v19+s21+$0x0], $0xffff  }
0xd2: {  	v14 =	vor.u32 $0x80, v7;
	v11 =	vld.idx.msk [tilespmem:v2+s21+$0x0], $0xffff  }
.Ltmp6:
0xd3: {  	[tilespmem:s24+$0xFFFFFF00] =	vst v15;
	v15 =	vor.u32 $0x80, v2;
	v17 =	vld.idx.msk [tilespmem:v5+s21+$0x0], $0xffff;
	(pc) =	sbr.rel @p0 .LBB2_9-.Ltmp6, $4  }
0xd4: {  	v20 =	vor.u32 $0x80, v0;
	v10 =	vld.idx.msk [tilespmem:v1+s21+$0x0], $0xffff;
	[tilespmem:s9+$0xF0] =	vst v22  }
0xd5: {  	v18 =	vld.idx.msk [tilespmem:v21+s21+$0x0], $0xffff;
	[tilespmem:s9+$0xA0] =	vst v9  }
0xd6: {  	v19 =	vld.idx.msk [tilespmem:v7+s21+$0x0], $0xffff;
	[tilespmem:s9+$0xC0] =	vst v16  }
0xd7: {  	s6 =	sadd.s32 $0x80, s6;
	v9 =	vor.u32 $0x80, v1;
	v16 =	vld.idx.msk [tilespmem:v6+s21+$0x0], $0xffff;
	[tilespmem:s9+$0xE0] =	vst v23;
	s9 =	smov.u32 s24  }
0xd8: {  	_ =	sdelay $0x2  }
0xd9: {  	[tilespmem:s9+$0xFFFFFF40] =	vst v13  }
0xda: {  	v13 =	vld.idx.msk [tilespmem:v3+s21+$0x0], $0xffff;
	[tilespmem:s9+$0xFFFFFF50] =	vst v17  }
0xdb: {  	[tilespmem:s9+$0xFFFFFF20] =	vst v11;
	v17 =	vld.idx.msk [tilespmem:v20+s21+$0x0], $0xffff;
	v20 =	vor.u32 $0x100, v4  }
0xdc: {  	[tilespmem:s9+$0xFFFFFF80] =	vst v18  }
0xdd: {  	v12 =	vld.idx.msk [tilespmem:v12+s21+$0x0], $0xffff;
	v18 =	vor.u32 $0x80, v6;
	[tilespmem:s9+$0xFFFFFF10] =	vst v19  }
0xde: {  	[tilespmem:s9+$0xFFFFFF60] =	vst v10;
	v11 =	vld.idx.msk [tilespmem:v14+s21+$0x0], $0xffff  }
0xdf: {  	[tilespmem:s9+$0xFFFFFF70] =	vst v13;
	v13 =	vld.idx.msk [tilespmem:v15+s21+$0x0], $0xffff  }
0xe0: {  	v14 =	vor.u32 $0x100, v5;
	[tilespmem:s9+$0xFFFFFFC0] =	vst v17;
	v17 =	vld.idx.msk [tilespmem:v20+s21+$0x0], $0xffff  }
0xe1: {  	v10 =	vor.u32 $0x100, v2;
	[tilespmem:s9+$0xFFFFFF30] =	vst v16;
	v8 =	vld.idx.msk [tilespmem:v8+s21+$0x0], $0xffff  }
0xe2: {  	v16 =	vor.u32 $0x100, v7;
	[tilespmem:s9+$0xFFFFFFD0] =	vst v12;
	v15 =	vld.idx.msk [tilespmem:v18+s21+$0x0], $0xffff  }
0xe3: {  	v4 =	vor.u32 $0x180, v4;
	[tilespmem:s9+$0xFFFFFF90] =	vst v11  }
0xe4: {  	v9 =	vld.idx.msk [tilespmem:v9+s21+$0x0], $0xffff;
	v12 =	vor.u32 $0x100, v6;
	[tilespmem:s9+$0xFFFFFFA0] =	vst v13  }
0xe5: {  	v11 =	vld.idx.msk [tilespmem:v14+s21+$0x0], $0xffff;
	v14 =	vor.u32 $0x100, v1;
	[tilespmem:s9+$0x0] =	vst v17  }
0xe6: {  	v13 =	vor.u32 $0x100, v3;
	[tilespmem:s9+$0xFFFFFFF0] =	vst v8;
	v8 =	vld.idx.msk [tilespmem:v10+s21+$0x0], $0xffff  }
0xe7: {  	v5 =	vor.u32 $0x180, v5;
	[tilespmem:s9+$0xFFFFFFB0] =	vst v15;
	v15 =	vld.idx.msk [tilespmem:v16+s21+$0x0], $0xffff  }
0xe8: {  	v16 =	vor.u32 $0x100, v0;
	v4 =	vld.idx.msk [tilespmem:v4+s21+$0x0], $0xffff  }
0xe9: {  	v2 =	vor.u32 $0x180, v2;
	[tilespmem:s9+$0xFFFFFFE0] =	vst v9;
	v12 =	vld.idx.msk [tilespmem:v12+s21+$0x0], $0xffff  }
0xea: {  	v7 =	vor.u32 $0x180, v7;
	[tilespmem:s9+$0x50] =	vst v11;
	v10 =	vld.idx.msk [tilespmem:v14+s21+$0x0], $0xffff  }
0xeb: {  	v6 =	vor.u32 $0x180, v6;
	v9 =	vld.idx.msk [tilespmem:v13+s21+$0x0], $0xffff;
	[tilespmem:s9+$0x20] =	vst v8  }
0xec: {  	v1 =	vor.u32 $0x180, v1;
	v5 =	vld.idx.msk [tilespmem:v5+s21+$0x0], $0xffff;
	[tilespmem:s9+$0x10] =	vst v15  }
0xed: {  	v3 =	vor.u32 $0x180, v3;
	v11 =	vld.idx.msk [tilespmem:v16+s21+$0x0], $0xffff;
	[tilespmem:s9+$0x80] =	vst v4  }
0xee: {  	v0 =	vor.u32 $0x180, v0;
	v2 =	vld.idx.msk [tilespmem:v2+s21+$0x0], $0xffff;
	[tilespmem:s9+$0x30] =	vst v12  }
0xef: {  	v7 =	vld.idx.msk [tilespmem:v7+s21+$0x0], $0xffff;
	[tilespmem:s9+$0x60] =	vst v10  }
0xf0: {  	v4 =	vld.idx.msk [tilespmem:v6+s21+$0x0], $0xffff;
	[tilespmem:s9+$0x70] =	vst v9  }
0xf1: {  	v1 =	vld.idx.msk [tilespmem:v1+s21+$0x0], $0xffff;
	[tilespmem:s9+$0xD0] =	vst v5  }
0xf2: {  	v3 =	vld.idx.msk [tilespmem:v3+s21+$0x0], $0xffff;
	[tilespmem:s9+$0x40] =	vst v11  }
0xf3: {  	[tilespmem:s9+$0xA0] =	vst v2;
	v0 =	vld.idx.msk [tilespmem:v0+s21+$0x0], $0xffff  }
0xf4: {  	[tilespmem:s9+$0x90] =	vst v7  }
0xf5: {  	[tilespmem:s9+$0xB0] =	vst v4  }
0xf6: {  	[tilespmem:s9+$0xE0] =	vst v1  }
0xf7: {  	p0 =	seq.s32 s4, $0x7;
	[tilespmem:s9+$0xF0] =	vst v3  }
0xf8: {  	s6 =	sadd.s32 s8, s11;
	s17 =	simm.s32 @!p0 $0x400;
	[tilespmem:s9+$0xC0] =	vst v0  }
0xf9: {  	[hbm4b:s6+s18] =	stream.strided.scatter [tilespmem:s30], [sflag:$0x6], $0x4000, s19, s18, $0x38;
	[tilespmem:$0x19000] =	vst v63  }
0xfa: {  	s24 =	simm.s32 @!p0 $0x5000;
	s9 =	simm.s32 @!p0 $0x200;
	s6 =	sadd.s32 @!p0 s7, s12  }
0xfb: {  	[tilespmem:s24], [sflag:$0x2] =	stream.strided.gather @!p0 [hbm4b:s6+s9], $0x4000, s17, s9, $0x38;
	[tilespmem:$0x19000] =	vst v63  }
0xfc: {  	_ =	swait.ge [sflag:s31], $0x4000  }
0xfd: {  	[sflag:s31] =	ssyncset.done $0x0  }
0xfe: {  	[sflag:s31] =	ssyncadd.s32 $0xFFFFC000  }
0xff: {  	_ =	swait.ge [sflag:s0], $0x4000  }
0x100: {  	[sflag:s0] =	ssyncset.done $0x0  }
0x101: {  	s24 =	simm.s32 $0x40;
	[sflag:s0] =	ssyncadd.s32 $0xFFFFC000  }
0x102: {  	v0 =	vld [tilespmem:s24+$0xFFFFFFC0]  }
0x103: {  	v1 =	vld [tilespmem:s24+$0x10]  }
0x104: {  	v3 =	vld [tilespmem:s24+$0xFFFFFFE0]  }
0x105: {  	v2 =	vld [tilespmem:s24+$0x0];
	_ =	sdelay $0x1  }
0x106: {  	v6 =	vld [tilespmem:s24+$0x20]  }
0x107: {  	v7 =	vld [tilespmem:s24+$0xFFFFFFF0];
	v4 =	vshll.u32 v0, $0x2;
	v0 =	vand.u32 $0x7F, v0;
	v5 =	vshll.u32 v1, $0x2  }
0x108: {  	v1 =	vand.u32 $0x7F, v1;
	v9 =	vshll.u32 v3, $0x2;
	v4 =	vand.u32 $0xFFFFFE00, v4  }
0x109: {  	v8 =	vld [tilespmem:s24+$0xFFFFFFD0];
	v3 =	vand.u32 $0x7F, v3;
	v4 =	vor.u32 v0, v4;
	v0 =	vshll.u32 v2, $0x2  }
0x10a: {  	v5 =	vand.u32 $0xFFFFFE00, v5;
	v2 =	vand.u32 $0x7F, v2;
	v0 =	vand.u32 $0xFFFFFE00, v0  }
0x10b: {  	v5 =	vor.u32 v1, v5;
	v0 =	vor.u32 v2, v0;
	v2 =	vand.u32 $0xFFFFFE00, v9;
	v9 =	vld [tilespmem:s24+$0x30]  }
0x10c: {  	v11 =	vand.u32 $0x7F, v7;
	v2 =	vor.u32 v3, v2;
	v3 =	vshll.u32 v6, $0x2  }
0x10d: {  	v1 =	vand.u32 $0x7F, v6;
	v12 =	vor.u32 $0x80, v4;
	v3 =	vand.u32 $0xFFFFFE00, v3  }
0x10e: {  	v6 =	vshll.u32 v7, $0x2;
	v10 =	vld.idx.msk [tilespmem:v4+s22+$0x0], $0xffff;
	v1 =	vor.u32 v1, v3;
	v3 =	vshll.u32 v8, $0x2  }
0x10f: {  	v6 =	vand.u32 $0xFFFFFE00, v6;
	v8 =	vand.u32 $0x7F, v8;
	v3 =	vand.u32 $0xFFFFFE00, v3  }
0x110: {  	v6 =	vor.u32 v11, v6;
	v17 =	vld.idx.msk [tilespmem:v5+s22+$0x0], $0xffff;
	v7 =	vor.u32 v8, v3;
	v3 =	vshll.u32 v9, $0x2  }
0x111: {  	v13 =	vld.idx.msk [tilespmem:v0+s22+$0x0], $0xffff;
	v8 =	vand.u32 $0x7F, v9;
	v3 =	vand.u32 $0xFFFFFE00, v3  }
0x112: {  	s9 =	simm.s32 $0x11100;
	v11 =	vld.idx.msk [tilespmem:v2+s22+$0x0], $0xffff;
	v3 =	vor.u32 v8, v3  }
0x113: {  	v20 =	vor.u32 $0x80, v0;
	[tilespmem:s9+$0xFFFFFF00] =	vst v10;
	v10 =	vld.idx.msk [tilespmem:v1+s22+$0x0], $0xffff  }
0x114: {  	v18 =	vld.idx.msk [tilespmem:v12+s22+$0x0], $0xffff;
	v12 =	vor.u32 $0x80, v5  }
0x115: {  	v15 =	vor.u32 $0x80, v2;
	v16 =	vld.idx.msk [tilespmem:v6+s22+$0x0], $0xffff  }
0x116: {  	s17 =	simm.s32 $0x0;
	s6 =	simm.s32 $0xC0;
	s24 =	simm.s32 $0x11100;
	v9 =	vor.u32 $0x80, v1;
	v14 =	vor.u32 $0x80, v7;
	v8 =	vor.u32 $0x80, v3;
	v19 =	vld.idx.msk [tilespmem:v7+s22+$0x0], $0xffff  }
.LBB2_11:
0x117: {  	s17 =	sadd.s32 $0x8, s17;
	[tilespmem:s9+$0xFFFFFF40] =	vst v13;
	v13 =	vld.idx.msk [tilespmem:v3+s22+$0x0], $0xffff;
	s24 =	sadd.s32 $0x200, s24  }
0x118: {  	p1 =	slt.u32 s17, $0xF8;
	v20 =	vld.idx.msk [tilespmem:v20+s22+$0x0], $0xffff;
	[tilespmem:s9+$0xFFFFFF50] =	vst v17  }
0x119: {  	v17 =	vor.u32 $0x100, v4;
	v12 =	vld.idx.msk [tilespmem:v12+s22+$0x0], $0xffff  }
0x11a: {  	v21 =	vld [tilespmem:s6+$0x10];
	[tilespmem:s9+$0xFFFFFF80] =	vst v18  }
0x11b: {  	v18 =	vld [tilespmem:s6+$0xFFFFFFE0];
	[tilespmem:s9+$0xFFFFFF10] =	vst v19;
	v19 =	vor.u32 $0x80, v6  }
0x11c: {  	v14 =	vld.idx.msk [tilespmem:v14+s22+$0x0], $0xffff;
	[tilespmem:s9+$0xFFFFFF20] =	vst v11  }
0x11d: {  	v11 =	vld.idx.msk [tilespmem:v15+s22+$0x0], $0xffff;
	[tilespmem:s9+$0xFFFFFF70] =	vst v13  }
0x11e: {  	v13 =	vld.idx.msk [tilespmem:v17+s22+$0x0], $0xffff;
	[tilespmem:s9+$0xFFFFFFC0] =	vst v20  }
0x11f: {  	v15 =	vld [tilespmem:s6+$0xFFFFFFF0];
	[tilespmem:s9+$0xFFFFFF30] =	vst v16  }
0x120: {  	v16 =	vld.idx.msk [tilespmem:v19+s22+$0x0], $0xffff;
	[tilespmem:s9+$0xFFFFFFD0] =	vst v12  }
0x121: {  	v12 =	vld [tilespmem:s6+$0xFFFFFFC0];
	[tilespmem:s9+$0xFFFFFF60] =	vst v10  }
0x122: {  	[tilespmem:s9+$0xFFFFFF90] =	vst v14;
	v8 =	vld.idx.msk [tilespmem:v8+s22+$0x0], $0xffff  }
0x123: {  	v10 =	vld [tilespmem:s6+$0x20];
	[tilespmem:s9+$0xFFFFFFA0] =	vst v11;
	v11 =	vor.u32 $0x100, v5  }
0x124: {  	v14 =	vld [tilespmem:s6+$0x30];
	[tilespmem:s9+$0x0] =	vst v13;
	v13 =	vor.u32 $0x100, v7  }
0x125: {  	v19 =	vor.u32 $0x100, v6;
	v17 =	vld [tilespmem:s6+$0xFFFFFFD0]  }
0x126: {  	v20 =	vor.u32 $0x180, v4;
	[tilespmem:s9+$0xFFFFFFB0] =	vst v16;
	v9 =	vld.idx.msk [tilespmem:v9+s22+$0x0], $0xffff  }
0x127: {  	v22 =	vor.u32 $0x100, v2;
	v23 =	vor.u32 $0x180, v5;
	v5 =	vor.u32 $0x100, v1;
	v16 =	vld [tilespmem:s6+$0x0]  }
0x128: {  	v24 =	vor.u32 $0x100, v0;
	v4 =	vshll.u32 v12, $0x2;
	v11 =	vld.idx.msk [tilespmem:v11+s22+$0x0], $0xffff;
	[tilespmem:s9+$0xFFFFFFF0] =	vst v8;
	v8 =	vor.u32 $0x100, v3  }
0x129: {  	v4 =	vand.u32 $0xFFFFFE00, v4;
	v25 =	vand.u32 $0x7F, v14;
	v14 =	vshll.u32 v14, $0x2;
	v13 =	vld.idx.msk [tilespmem:v13+s22+$0x0], $0xffff  }
0x12a: {  	v6 =	vor.u32 $0x180, v6;
	v12 =	vand.u32 $0x7F, v12;
	v14 =	vand.u32 $0xFFFFFE00, v14;
	v19 =	vld.idx.msk [tilespmem:v19+s22+$0x0], $0xffff  }
0x12b: {  	v7 =	vor.u32 $0x180, v7;
	v4 =	vor.u32 v12, v4;
	v12 =	vshll.u32 v21, $0x2;
	v20 =	vld.idx.msk [tilespmem:v20+s22+$0x0], $0xffff  }
0x12c: {  	v26 =	vshll.u32 v15, $0x2;
	v14 =	vor.u32 v25, v14;
	v27 =	vshll.u32 v16, $0x2;
	v22 =	vld.idx.msk [tilespmem:v22+s22+$0x0], $0xffff;
	[tilespmem:s9+$0xFFFFFFE0] =	vst v9  }
0x12d: {  	v21 =	vand.u32 $0x7F, v21;
	v9 =	vand.u32 $0xFFFFFE00, v26;
	v16 =	vand.u32 $0x7F, v16;
	v25 =	vld.idx.msk [tilespmem:v5+s22+$0x0], $0xffff  }
0x12e: {  	v12 =	vand.u32 $0xFFFFFE00, v12;
	v26 =	vor.u32 $0x180, v2;
	v5 =	vand.u32 $0xFFFFFE00, v27;
	[tilespmem:s9+$0x50] =	vst v11;
	v8 =	vld.idx.msk [tilespmem:v8+s22+$0x0], $0xffff  }
0x12f: {  	v2 =	vshll.u32 v18, $0x2;
	v11 =	vor.u32 v16, v5;
	v5 =	vor.u32 v21, v12;
	[tilespmem:s9+$0x10] =	vst v13;
	v12 =	vld.idx.msk [tilespmem:v24+s22+$0x0], $0xffff  }
0x130: {  	v2 =	vand.u32 $0xFFFFFE00, v2;
	v13 =	vor.u32 $0x180, v3;
	v3 =	vmov v14;
	v7 =	vld.idx.msk [tilespmem:v7+s22+$0x0], $0xffff;
	[tilespmem:s9+$0x30] =	vst v19  }
0x131: {  	v14 =	vand.u32 $0x7F, v18;
	v18 =	vor.u32 $0x180, v0;
	v0 =	vmovc v11;
	v19 =	vor.u32 $0x180, v1;
	[tilespmem:s9+$0x80] =	vst v20;
	v16 =	vld.idx.msk [tilespmem:v6+s22+$0x0], $0xffff  }
0x132: {  	v21 =	vor.u32 $0x80, v4;
	v2 =	vor.u32 v14, v2;
	v1 =	vand.u32 $0x7F, v15;
	[tilespmem:s9+$0x20] =	vst v22;
	v11 =	vld.idx.msk [tilespmem:v23+s22+$0x0], $0xffff  }
0x133: {  	v6 =	vor.u32 v1, v9;
	v1 =	vshll.u32 v10, $0x2;
	v9 =	vld.idx.msk [tilespmem:v26+s22+$0x0], $0xffff;
	[tilespmem:s9+$0x60] =	vst v25  }
0x134: {  	v10 =	vand.u32 $0x7F, v10;
	v1 =	vand.u32 $0xFFFFFE00, v1;
	v15 =	vld.idx.msk [tilespmem:v4+s22+$0x0], $0xffff;
	[tilespmem:s9+$0x70] =	vst v8  }
0x135: {  	v1 =	vor.u32 v10, v1;
	[tilespmem:s9+$0x40] =	vst v12;
	v22 =	vld.idx.msk [tilespmem:v13+s22+$0x0], $0xffff  }
0x136: {  	v8 =	vshll.u32 v17, $0x2;
	v12 =	vor.u32 $0x80, v5;
	v13 =	vld.idx.msk [tilespmem:v0+s22+$0x0], $0xffff;
	[tilespmem:s9+$0x90] =	vst v7  }
0x137: {  	v10 =	vand.u32 $0xFFFFFE00, v8;
	v8 =	vor.u32 $0x80, v3;
	v7 =	vand.u32 $0x7F, v17;
	[tilespmem:s9+$0xB0] =	vst v16;
	v16 =	vld.idx.msk [tilespmem:v18+s22+$0x0], $0xffff  }
0x138: {  	v7 =	vor.u32 v7, v10;
	[tilespmem:s9+$0xD0] =	vst v11;
	v23 =	vld.idx.msk [tilespmem:v19+s22+$0x0], $0xffff  }
0x139: {  	v14 =	vor.u32 $0x80, v7;
	v11 =	vld.idx.msk [tilespmem:v2+s22+$0x0], $0xffff  }
.Ltmp7:
0x13a: {  	[tilespmem:s24+$0xFFFFFF00] =	vst v15;
	v15 =	vor.u32 $0x80, v2;
	v17 =	vld.idx.msk [tilespmem:v5+s22+$0x0], $0xffff;
	(pc) =	sbr.rel @p1 .LBB2_11-.Ltmp7, $4  }
0x13b: {  	v20 =	vor.u32 $0x80, v0;
	v10 =	vld.idx.msk [tilespmem:v1+s22+$0x0], $0xffff;
	[tilespmem:s9+$0xF0] =	vst v22  }
0x13c: {  	v18 =	vld.idx.msk [tilespmem:v21+s22+$0x0], $0xffff;
	[tilespmem:s9+$0xA0] =	vst v9  }
0x13d: {  	v19 =	vld.idx.msk [tilespmem:v7+s22+$0x0], $0xffff;
	[tilespmem:s9+$0xC0] =	vst v16  }
0x13e: {  	s6 =	sadd.s32 $0x80, s6;
	v9 =	vor.u32 $0x80, v1;
	v16 =	vld.idx.msk [tilespmem:v6+s22+$0x0], $0xffff;
	[tilespmem:s9+$0xE0] =	vst v23;
	s9 =	smov.u32 s24  }
0x13f: {  	_ =	sdelay $0x2  }
0x140: {  	[tilespmem:s9+$0xFFFFFF40] =	vst v13  }
0x141: {  	v13 =	vld.idx.msk [tilespmem:v3+s22+$0x0], $0xffff;
	[tilespmem:s9+$0xFFFFFF50] =	vst v17  }
0x142: {  	[tilespmem:s9+$0xFFFFFF20] =	vst v11;
	v17 =	vld.idx.msk [tilespmem:v20+s22+$0x0], $0xffff;
	v20 =	vor.u32 $0x100, v4  }
0x143: {  	[tilespmem:s9+$0xFFFFFF80] =	vst v18  }
0x144: {  	v12 =	vld.idx.msk [tilespmem:v12+s22+$0x0], $0xffff;
	v18 =	vor.u32 $0x80, v6;
	[tilespmem:s9+$0xFFFFFF10] =	vst v19  }
0x145: {  	[tilespmem:s9+$0xFFFFFF60] =	vst v10;
	v11 =	vld.idx.msk [tilespmem:v14+s22+$0x0], $0xffff  }
0x146: {  	[tilespmem:s9+$0xFFFFFF70] =	vst v13;
	v13 =	vld.idx.msk [tilespmem:v15+s22+$0x0], $0xffff  }
0x147: {  	v14 =	vor.u32 $0x100, v5;
	[tilespmem:s9+$0xFFFFFFC0] =	vst v17;
	v17 =	vld.idx.msk [tilespmem:v20+s22+$0x0], $0xffff  }
0x148: {  	v10 =	vor.u32 $0x100, v2;
	[tilespmem:s9+$0xFFFFFF30] =	vst v16;
	v8 =	vld.idx.msk [tilespmem:v8+s22+$0x0], $0xffff  }
0x149: {  	v16 =	vor.u32 $0x100, v7;
	[tilespmem:s9+$0xFFFFFFD0] =	vst v12;
	v15 =	vld.idx.msk [tilespmem:v18+s22+$0x0], $0xffff  }
0x14a: {  	v4 =	vor.u32 $0x180, v4;
	[tilespmem:s9+$0xFFFFFF90] =	vst v11  }
0x14b: {  	v9 =	vld.idx.msk [tilespmem:v9+s22+$0x0], $0xffff;
	v12 =	vor.u32 $0x100, v6;
	[tilespmem:s9+$0xFFFFFFA0] =	vst v13  }
0x14c: {  	v11 =	vld.idx.msk [tilespmem:v14+s22+$0x0], $0xffff;
	v14 =	vor.u32 $0x100, v1;
	[tilespmem:s9+$0x0] =	vst v17  }
0x14d: {  	v13 =	vor.u32 $0x100, v3;
	[tilespmem:s9+$0xFFFFFFF0] =	vst v8;
	v8 =	vld.idx.msk [tilespmem:v10+s22+$0x0], $0xffff  }
0x14e: {  	v5 =	vor.u32 $0x180, v5;
	[tilespmem:s9+$0xFFFFFFB0] =	vst v15;
	v15 =	vld.idx.msk [tilespmem:v16+s22+$0x0], $0xffff  }
0x14f: {  	v16 =	vor.u32 $0x100, v0;
	v4 =	vld.idx.msk [tilespmem:v4+s22+$0x0], $0xffff  }
0x150: {  	v2 =	vor.u32 $0x180, v2;
	[tilespmem:s9+$0xFFFFFFE0] =	vst v9;
	v12 =	vld.idx.msk [tilespmem:v12+s22+$0x0], $0xffff  }
0x151: {  	v7 =	vor.u32 $0x180, v7;
	[tilespmem:s9+$0x50] =	vst v11;
	v10 =	vld.idx.msk [tilespmem:v14+s22+$0x0], $0xffff  }
0x152: {  	v6 =	vor.u32 $0x180, v6;
	v9 =	vld.idx.msk [tilespmem:v13+s22+$0x0], $0xffff;
	[tilespmem:s9+$0x20] =	vst v8  }
0x153: {  	v1 =	vor.u32 $0x180, v1;
	v5 =	vld.idx.msk [tilespmem:v5+s22+$0x0], $0xffff;
	[tilespmem:s9+$0x10] =	vst v15  }
0x154: {  	v3 =	vor.u32 $0x180, v3;
	v11 =	vld.idx.msk [tilespmem:v16+s22+$0x0], $0xffff;
	[tilespmem:s9+$0x80] =	vst v4  }
0x155: {  	v0 =	vor.u32 $0x180, v0;
	v2 =	vld.idx.msk [tilespmem:v2+s22+$0x0], $0xffff;
	[tilespmem:s9+$0x30] =	vst v12  }
0x156: {  	v7 =	vld.idx.msk [tilespmem:v7+s22+$0x0], $0xffff;
	[tilespmem:s9+$0x60] =	vst v10  }
0x157: {  	v4 =	vld.idx.msk [tilespmem:v6+s22+$0x0], $0xffff;
	[tilespmem:s9+$0x70] =	vst v9  }
0x158: {  	v1 =	vld.idx.msk [tilespmem:v1+s22+$0x0], $0xffff;
	[tilespmem:s9+$0xD0] =	vst v5  }
0x159: {  	v3 =	vld.idx.msk [tilespmem:v3+s22+$0x0], $0xffff;
	[tilespmem:s9+$0x40] =	vst v11  }
0x15a: {  	[tilespmem:s9+$0xA0] =	vst v2;
	v0 =	vld.idx.msk [tilespmem:v0+s22+$0x0], $0xffff  }
0x15b: {  	[tilespmem:s9+$0x90] =	vst v7  }
0x15c: {  	[tilespmem:s9+$0xB0] =	vst v4  }
0x15d: {  	[tilespmem:s9+$0xE0] =	vst v1  }
0x15e: {  	[tilespmem:s9+$0xF0] =	vst v3  }
0x15f: {  	s6 =	sadd.s32 s8, s13;
	s17 =	simm.s32 @!p0 $0x400;
	[tilespmem:s9+$0xC0] =	vst v0  }
0x160: {  	[hbm4b:s6+s18] =	stream.strided.scatter [tilespmem:s26], [sflag:$0x5], $0x4000, s19, s18, $0x38;
	[tilespmem:$0x19000] =	vst v63  }
0x161: {  	s24 =	simm.s32 @!p0 $0x9000;
	s9 =	simm.s32 @!p0 $0x200;
	s6 =	sadd.s32 @!p0 s7, s14  }
0x162: {  	[tilespmem:s24], [sflag:$0x3] =	stream.strided.gather @!p0 [hbm4b:s6+s9], $0x4000, s17, s9, $0x38;
	[tilespmem:$0x19000] =	vst v63  }
0x163: {  	_ =	swait.ge [sflag:s2], $0x4000  }
0x164: {  	[sflag:s2] =	ssyncset.done $0x0  }
0x165: {  	[sflag:s2] =	ssyncadd.s32 $0xFFFFC000  }
0x166: {  	_ =	swait.ge [sflag:s29], $0x4000  }
0x167: {  	[sflag:s29] =	ssyncset.done $0x0  }
0x168: {  	s24 =	simm.s32 $0x40;
	[sflag:s29] =	ssyncadd.s32 $0xFFFFC000  }
0x169: {  	v0 =	vld [tilespmem:s24+$0xFFFFFFC0]  }
0x16a: {  	v1 =	vld [tilespmem:s24+$0x10]  }
0x16b: {  	v3 =	vld [tilespmem:s24+$0xFFFFFFE0]  }
0x16c: {  	v2 =	vld [tilespmem:s24+$0x0];
	_ =	sdelay $0x1  }
0x16d: {  	v6 =	vld [tilespmem:s24+$0x20]  }
0x16e: {  	v7 =	vld [tilespmem:s24+$0xFFFFFFF0];
	v4 =	vshll.u32 v0, $0x2;
	v0 =	vand.u32 $0x7F, v0;
	v5 =	vshll.u32 v1, $0x2  }
0x16f: {  	v1 =	vand.u32 $0x7F, v1;
	v9 =	vshll.u32 v3, $0x2;
	v4 =	vand.u32 $0xFFFFFE00, v4  }
0x170: {  	v8 =	vld [tilespmem:s24+$0xFFFFFFD0];
	v3 =	vand.u32 $0x7F, v3;
	v4 =	vor.u32 v0, v4;
	v0 =	vshll.u32 v2, $0x2  }
0x171: {  	v5 =	vand.u32 $0xFFFFFE00, v5;
	v2 =	vand.u32 $0x7F, v2;
	v0 =	vand.u32 $0xFFFFFE00, v0  }
0x172: {  	v5 =	vor.u32 v1, v5;
	v0 =	vor.u32 v2, v0;
	v2 =	vand.u32 $0xFFFFFE00, v9;
	v9 =	vld [tilespmem:s24+$0x30]  }
0x173: {  	v11 =	vand.u32 $0x7F, v7;
	v2 =	vor.u32 v3, v2;
	v3 =	vshll.u32 v6, $0x2  }
0x174: {  	v1 =	vand.u32 $0x7F, v6;
	v12 =	vor.u32 $0x80, v4;
	v3 =	vand.u32 $0xFFFFFE00, v3  }
0x175: {  	v6 =	vshll.u32 v7, $0x2;
	v10 =	vld.idx.msk [tilespmem:v4+s23+$0x0], $0xffff;
	v1 =	vor.u32 v1, v3;
	v3 =	vshll.u32 v8, $0x2  }
0x176: {  	v6 =	vand.u32 $0xFFFFFE00, v6;
	v8 =	vand.u32 $0x7F, v8;
	v3 =	vand.u32 $0xFFFFFE00, v3  }
0x177: {  	v6 =	vor.u32 v11, v6;
	v17 =	vld.idx.msk [tilespmem:v5+s23+$0x0], $0xffff;
	v7 =	vor.u32 v8, v3;
	v3 =	vshll.u32 v9, $0x2  }
0x178: {  	v13 =	vld.idx.msk [tilespmem:v0+s23+$0x0], $0xffff;
	v8 =	vand.u32 $0x7F, v9;
	v3 =	vand.u32 $0xFFFFFE00, v3  }
0x179: {  	s9 =	simm.s32 $0x15100;
	v11 =	vld.idx.msk [tilespmem:v2+s23+$0x0], $0xffff;
	v3 =	vor.u32 v8, v3  }
0x17a: {  	v20 =	vor.u32 $0x80, v0;
	[tilespmem:s9+$0xFFFFFF00] =	vst v10;
	v10 =	vld.idx.msk [tilespmem:v1+s23+$0x0], $0xffff  }
0x17b: {  	v18 =	vld.idx.msk [tilespmem:v12+s23+$0x0], $0xffff;
	v12 =	vor.u32 $0x80, v5  }
0x17c: {  	v15 =	vor.u32 $0x80, v2;
	v16 =	vld.idx.msk [tilespmem:v6+s23+$0x0], $0xffff  }
0x17d: {  	s17 =	simm.s32 $0x0;
	s6 =	simm.s32 $0xC0;
	s24 =	simm.s32 $0x15100;
	v9 =	vor.u32 $0x80, v1;
	v14 =	vor.u32 $0x80, v7;
	v8 =	vor.u32 $0x80, v3;
	v19 =	vld.idx.msk [tilespmem:v7+s23+$0x0], $0xffff  }
.LBB2_13:
0x17e: {  	s17 =	sadd.s32 $0x8, s17;
	[tilespmem:s9+$0xFFFFFF40] =	vst v13;
	v13 =	vld.idx.msk [tilespmem:v3+s23+$0x0], $0xffff;
	s24 =	sadd.s32 $0x200, s24  }
0x17f: {  	p1 =	slt.u32 s17, $0xF8;
	v20 =	vld.idx.msk [tilespmem:v20+s23+$0x0], $0xffff;
	[tilespmem:s9+$0xFFFFFF50] =	vst v17  }
0x180: {  	v17 =	vor.u32 $0x100, v4;
	v12 =	vld.idx.msk [tilespmem:v12+s23+$0x0], $0xffff  }
0x181: {  	v21 =	vld [tilespmem:s6+$0x10];
	[tilespmem:s9+$0xFFFFFF80] =	vst v18  }
0x182: {  	v18 =	vld [tilespmem:s6+$0xFFFFFFE0];
	[tilespmem:s9+$0xFFFFFF10] =	vst v19;
	v19 =	vor.u32 $0x80, v6  }
0x183: {  	v14 =	vld.idx.msk [tilespmem:v14+s23+$0x0], $0xffff;
	[tilespmem:s9+$0xFFFFFF20] =	vst v11  }
0x184: {  	v11 =	vld.idx.msk [tilespmem:v15+s23+$0x0], $0xffff;
	[tilespmem:s9+$0xFFFFFF70] =	vst v13  }
0x185: {  	v13 =	vld.idx.msk [tilespmem:v17+s23+$0x0], $0xffff;
	[tilespmem:s9+$0xFFFFFFC0] =	vst v20  }
0x186: {  	v15 =	vld [tilespmem:s6+$0xFFFFFFF0];
	[tilespmem:s9+$0xFFFFFF30] =	vst v16  }
0x187: {  	v16 =	vld.idx.msk [tilespmem:v19+s23+$0x0], $0xffff;
	[tilespmem:s9+$0xFFFFFFD0] =	vst v12  }
0x188: {  	v12 =	vld [tilespmem:s6+$0xFFFFFFC0];
	[tilespmem:s9+$0xFFFFFF60] =	vst v10  }
0x189: {  	[tilespmem:s9+$0xFFFFFF90] =	vst v14;
	v8 =	vld.idx.msk [tilespmem:v8+s23+$0x0], $0xffff  }
0x18a: {  	v10 =	vld [tilespmem:s6+$0x20];
	[tilespmem:s9+$0xFFFFFFA0] =	vst v11;
	v11 =	vor.u32 $0x100, v5  }
0x18b: {  	v14 =	vld [tilespmem:s6+$0x30];
	[tilespmem:s9+$0x0] =	vst v13;
	v13 =	vor.u32 $0x100, v7  }
0x18c: {  	v19 =	vor.u32 $0x100, v6;
	v17 =	vld [tilespmem:s6+$0xFFFFFFD0]  }
0x18d: {  	v20 =	vor.u32 $0x180, v4;
	[tilespmem:s9+$0xFFFFFFB0] =	vst v16;
	v9 =	vld.idx.msk [tilespmem:v9+s23+$0x0], $0xffff  }
0x18e: {  	v22 =	vor.u32 $0x100, v2;
	v23 =	vor.u32 $0x180, v5;
	v5 =	vor.u32 $0x100, v1;
	v16 =	vld [tilespmem:s6+$0x0]  }
0x18f: {  	v24 =	vor.u32 $0x100, v0;
	v4 =	vshll.u32 v12, $0x2;
	v11 =	vld.idx.msk [tilespmem:v11+s23+$0x0], $0xffff;
	[tilespmem:s9+$0xFFFFFFF0] =	vst v8;
	v8 =	vor.u32 $0x100, v3  }
0x190: {  	v4 =	vand.u32 $0xFFFFFE00, v4;
	v25 =	vand.u32 $0x7F, v14;
	v14 =	vshll.u32 v14, $0x2;
	v13 =	vld.idx.msk [tilespmem:v13+s23+$0x0], $0xffff  }
0x191: {  	v6 =	vor.u32 $0x180, v6;
	v12 =	vand.u32 $0x7F, v12;
	v14 =	vand.u32 $0xFFFFFE00, v14;
	v19 =	vld.idx.msk [tilespmem:v19+s23+$0x0], $0xffff  }
0x192: {  	v7 =	vor.u32 $0x180, v7;
	v4 =	vor.u32 v12, v4;
	v12 =	vshll.u32 v21, $0x2;
	v20 =	vld.idx.msk [tilespmem:v20+s23+$0x0], $0xffff  }
0x193: {  	v26 =	vshll.u32 v15, $0x2;
	v14 =	vor.u32 v25, v14;
	v27 =	vshll.u32 v16, $0x2;
	v22 =	vld.idx.msk [tilespmem:v22+s23+$0x0], $0xffff;
	[tilespmem:s9+$0xFFFFFFE0] =	vst v9  }
0x194: {  	v21 =	vand.u32 $0x7F, v21;
	v9 =	vand.u32 $0xFFFFFE00, v26;
	v16 =	vand.u32 $0x7F, v16;
	v25 =	vld.idx.msk [tilespmem:v5+s23+$0x0], $0xffff  }
0x195: {  	v12 =	vand.u32 $0xFFFFFE00, v12;
	v26 =	vor.u32 $0x180, v2;
	v5 =	vand.u32 $0xFFFFFE00, v27;
	[tilespmem:s9+$0x50] =	vst v11;
	v8 =	vld.idx.msk [tilespmem:v8+s23+$0x0], $0xffff  }
0x196: {  	v2 =	vshll.u32 v18, $0x2;
	v11 =	vor.u32 v16, v5;
	v5 =	vor.u32 v21, v12;
	[tilespmem:s9+$0x10] =	vst v13;
	v12 =	vld.idx.msk [tilespmem:v24+s23+$0x0], $0xffff  }
0x197: {  	v2 =	vand.u32 $0xFFFFFE00, v2;
	v13 =	vor.u32 $0x180, v3;
	v3 =	vmov v14;
	v7 =	vld.idx.msk [tilespmem:v7+s23+$0x0], $0xffff;
	[tilespmem:s9+$0x30] =	vst v19  }
0x198: {  	v14 =	vand.u32 $0x7F, v18;
	v18 =	vor.u32 $0x180, v0;
	v0 =	vmovc v11;
	v19 =	vor.u32 $0x180, v1;
	[tilespmem:s9+$0x80] =	vst v20;
	v16 =	vld.idx.msk [tilespmem:v6+s23+$0x0], $0xffff  }
0x199: {  	v21 =	vor.u32 $0x80, v4;
	v2 =	vor.u32 v14, v2;
	v1 =	vand.u32 $0x7F, v15;
	[tilespmem:s9+$0x20] =	vst v22;
	v11 =	vld.idx.msk [tilespmem:v23+s23+$0x0], $0xffff  }
0x19a: {  	v6 =	vor.u32 v1, v9;
	v1 =	vshll.u32 v10, $0x2;
	v9 =	vld.idx.msk [tilespmem:v26+s23+$0x0], $0xffff;
	[tilespmem:s9+$0x60] =	vst v25  }
0x19b: {  	v10 =	vand.u32 $0x7F, v10;
	v1 =	vand.u32 $0xFFFFFE00, v1;
	v15 =	vld.idx.msk [tilespmem:v4+s23+$0x0], $0xffff;
	[tilespmem:s9+$0x70] =	vst v8  }
0x19c: {  	v1 =	vor.u32 v10, v1;
	[tilespmem:s9+$0x40] =	vst v12;
	v22 =	vld.idx.msk [tilespmem:v13+s23+$0x0], $0xffff  }
0x19d: {  	v8 =	vshll.u32 v17, $0x2;
	v12 =	vor.u32 $0x80, v5;
	v13 =	vld.idx.msk [tilespmem:v0+s23+$0x0], $0xffff;
	[tilespmem:s9+$0x90] =	vst v7  }
0x19e: {  	v10 =	vand.u32 $0xFFFFFE00, v8;
	v8 =	vor.u32 $0x80, v3;
	v7 =	vand.u32 $0x7F, v17;
	[tilespmem:s9+$0xB0] =	vst v16;
	v16 =	vld.idx.msk [tilespmem:v18+s23+$0x0], $0xffff  }
0x19f: {  	v7 =	vor.u32 v7, v10;
	[tilespmem:s9+$0xD0] =	vst v11;
	v23 =	vld.idx.msk [tilespmem:v19+s23+$0x0], $0xffff  }
0x1a0: {  	v14 =	vor.u32 $0x80, v7;
	v11 =	vld.idx.msk [tilespmem:v2+s23+$0x0], $0xffff  }
.Ltmp8:
0x1a1: {  	[tilespmem:s24+$0xFFFFFF00] =	vst v15;
	v15 =	vor.u32 $0x80, v2;
	v17 =	vld.idx.msk [tilespmem:v5+s23+$0x0], $0xffff;
	(pc) =	sbr.rel @p1 .LBB2_13-.Ltmp8, $4  }
0x1a2: {  	v20 =	vor.u32 $0x80, v0;
	v10 =	vld.idx.msk [tilespmem:v1+s23+$0x0], $0xffff;
	[tilespmem:s9+$0xF0] =	vst v22  }
0x1a3: {  	v18 =	vld.idx.msk [tilespmem:v21+s23+$0x0], $0xffff;
	[tilespmem:s9+$0xA0] =	vst v9  }
0x1a4: {  	v19 =	vld.idx.msk [tilespmem:v7+s23+$0x0], $0xffff;
	[tilespmem:s9+$0xC0] =	vst v16  }
0x1a5: {  	s6 =	sadd.s32 $0x80, s6;
	v9 =	vor.u32 $0x80, v1;
	v16 =	vld.idx.msk [tilespmem:v6+s23+$0x0], $0xffff;
	[tilespmem:s9+$0xE0] =	vst v23;
	s9 =	smov.u32 s24  }
0x1a6: {  	_ =	sdelay $0x1  }
0x1a7: {  	[tilespmem:s9+$0xFFFFFF40] =	vst v13  }
0x1a8: {  	[tilespmem:s9+$0xFFFFFF50] =	vst v17  }
0x1a9: {  	v34 =	vld.idx.msk [tilespmem:v3+s23+$0x0], $0xffff;
	[tilespmem:s9+$0xFFFFFF20] =	vst v11  }
0x1aa: {  	v36 =	vor.u32 $0x80, v6;
	v35 =	vld.idx.msk [tilespmem:v20+s23+$0x0], $0xffff;
	[tilespmem:s9+$0xFFFFFF60] =	vst v10  }
0x1ab: {  	v37 =	vor.u32 $0x100, v4;
	v12 =	vld.idx.msk [tilespmem:v12+s23+$0x0], $0xffff;
	[tilespmem:s9+$0xFFFFFF80] =	vst v18  }
0x1ac: {  	v39 =	vld.idx.msk [tilespmem:v15+s23+$0x0], $0xffff;
	[tilespmem:s9+$0xFFFFFF10] =	vst v19  }
0x1ad: {  	v40 =	vor.u32 $0x100, v5;
	v9 =	vld.idx.msk [tilespmem:v9+s23+$0x0], $0xffff;
	[tilespmem:s9+$0xFFFFFF30] =	vst v16  }
0x1ae: {  	v46 =	vor.u32 $0x100, v2;
	v38 =	vld.idx.msk [tilespmem:v14+s23+$0x0], $0xffff;
	[tilespmem:s9+$0xFFFFFF70] =	vst v34  }
0x1af: {  	v51 =	vor.u32 $0x100, v0;
	v41 =	vld.idx.msk [tilespmem:v36+s23+$0x0], $0xffff;
	[tilespmem:s9+$0xFFFFFFC0] =	vst v35  }
0x1b0: {  	v49 =	vor.u32 $0x100, v1;
	v43 =	vld.idx.msk [tilespmem:v37+s23+$0x0], $0xffff;
	[tilespmem:s9+$0xFFFFFFD0] =	vst v12  }
0x1b1: {  	v42 =	vor.u32 $0x100, v7;
	v8 =	vld.idx.msk [tilespmem:v8+s23+$0x0], $0xffff;
	[tilespmem:s9+$0xFFFFFFA0] =	vst v39  }
0x1b2: {  	v44 =	vor.u32 $0x100, v6;
	v47 =	vld.idx.msk [tilespmem:v40+s23+$0x0], $0xffff;
	[tilespmem:s9+$0xFFFFFFE0] =	vst v9  }
0x1b3: {  	v45 =	vor.u32 $0x180, v4;
	v54 =	vld.idx.msk [tilespmem:v46+s23+$0x0], $0xffff;
	[tilespmem:s9+$0xFFFFFF90] =	vst v38  }
0x1b4: {  	v48 =	vor.u32 $0x100, v3;
	v60 =	vld.idx.msk [tilespmem:v51+s23+$0x0], $0xffff;
	[tilespmem:s9+$0xFFFFFFB0] =	vst v41  }
0x1b5: {  	v55 =	vor.u32 $0x180, v5;
	v57 =	vld.idx.msk [tilespmem:v49+s23+$0x0], $0xffff;
	[tilespmem:s9+$0x0] =	vst v43  }
0x1b6: {  	v59 =	vor.u32 $0x180, v2;
	v50 =	vld.idx.msk [tilespmem:v42+s23+$0x0], $0xffff;
	[tilespmem:s9+$0xFFFFFFF0] =	vst v8  }
0x1b7: {  	v61 =	vor.u32 $0x180, v0;
	v12 =	vld.idx.msk [tilespmem:v44+s23+$0x0], $0xffff;
	[tilespmem:s9+$0x50] =	vst v47  }
0x1b8: {  	v63 =	vor.u32 $0x180, v1;
	v4 =	vld.idx.msk [tilespmem:v45+s23+$0x0], $0xffff;
	[tilespmem:s9+$0x20] =	vst v54  }
0x1b9: {  	v52 =	vor.u32 $0x180, v7;
	v56 =	vld.idx.msk [tilespmem:v48+s23+$0x0], $0xffff;
	[tilespmem:s9+$0x40] =	vst v60  }
0x1ba: {  	v53 =	vor.u32 $0x180, v6;
	v5 =	vld.idx.msk [tilespmem:v55+s23+$0x0], $0xffff;
	[tilespmem:s9+$0x60] =	vst v57  }
0x1bb: {  	v58 =	vor.u32 $0x180, v3;
	v2 =	vld.idx.msk [tilespmem:v59+s23+$0x0], $0xffff;
	[tilespmem:s9+$0x10] =	vst v50  }
0x1bc: {  	v0 =	vld.idx.msk [tilespmem:v61+s23+$0x0], $0xffff;
	[tilespmem:s9+$0x30] =	vst v12  }
0x1bd: {  	v1 =	vld.idx.msk [tilespmem:v63+s23+$0x0], $0xffff;
	[tilespmem:s9+$0x80] =	vst v4  }
0x1be: {  	v7 =	vld.idx.msk [tilespmem:v52+s23+$0x0], $0xffff;
	[tilespmem:s9+$0x70] =	vst v56  }
0x1bf: {  	v62 =	vld.idx.msk [tilespmem:v53+s23+$0x0], $0xffff;
	[tilespmem:s9+$0xD0] =	vst v5  }
0x1c0: {  	v3 =	vld.idx.msk [tilespmem:v58+s23+$0x0], $0xffff;
	[tilespmem:s9+$0xA0] =	vst v2  }
0x1c1: {  	[tilespmem:s9+$0xC0] =	vst v0  }
.Ltmp9:
0x1c2: {  	[tilespmem:s9+$0xE0] =	vst v1;
	(pc) =	sbr.rel @p0 .LBB2_16-.Ltmp9, $4  }
0x1c3: {  	[tilespmem:s9+$0x90] =	vst v7  }
0x1c4: {  	[tilespmem:s9+$0xB0] =	vst v62  }
0x1c5: {  	s6 =	sadd.s32 s8, s15;
	[tilespmem:s9+$0xF0] =	vst v3  }
0x1c6: {  	[hbm4b:s6+s18] =	stream.strided.scatter [tilespmem:s30], [sflag:$0x6], $0x4000, s19, s18, $0x38;
	[tilespmem:$0x19000] =	vst v63  }
.Ltmp10:
0x1c7: {  	(pc) =	sbr.rel .LBB2_2-.Ltmp10, $3  }
0x1c8: {  	_ =	sdelay $0x1  }
0x1c9: {  	s6 =	sadd.s32 s7, s16;
	s4 =	sadd.s32 $0x1, s4  }
0x1ca: {  	[tilespmem:s23], [sflag:$0x4] =	stream.strided.gather [hbm4b:s6+s18], $0x4000, s19, s18, $0x38;
	[tilespmem:$0x19000] =	vst v63  }
.LBB2_17:
0x1cb: {  	_ =	sfence.sel $0x180000  }
0x1cc: {  	[bflag:$0x0] =	sbarrier.arrive $0xFFFF  }
0x1cd: {  	_ =	strace $0x90000047  }
0x1ce: {  	s0 =	stileid.u32;
	[bflag:$0x2] =	sbarrier.arrive $0xFFFF  }
0x1cf: {  	p0 =	sne.s32 s0, $0x0;
	s0 =	rddreg [dreg:$0x3]  }
0x1d0: {  	s0 =	sadd.s32 @!p0 $0x100000, s0  }
0x1d1: {  	[sflag:s0] =	ssyncadd.tile.s32 @!p0 $0x1;
	_ =	shalt  }
.Lfunc_end2:
_tile_overlayer_lowered:
.L_overlay_start_2:
0x1d2: {  	(tag) =	ssettag $0x2  }
0x1d3: {  	s0 =	rddreg [dreg:$0x0];
	s2 =	stileid.u32  }
0x1d4: {  	s1 =	rddreg [dreg:$0x1];
	p0 =	sne.s32 s2, $0x0  }
0x1d5: {  	s3 =	rddreg [dreg:$0x2];
	[bflag:$0x3] =	sbarrier.arrive $0xFFFF;
	s2 =	simm.s32 @!p0 $0x1C07  }
0x1d6: {  	[timem:s3], [sflag:s2] =	dma.local @!p0 [hbm:s0], s1  }
0x1d7: {  	s0 =	simm.s32 @!p0 $0x7  }
0x1d8: {  	_ =	swait.ge @!p0 [sflag:s0], s1  }
0x1d9: {  	s1 =	ssub.s32 @!p0 $0x0, s1;
	[sflag:s0] =	ssyncset.done @!p0 $0x0  }
0x1da: {  	[sflag:s0] =	ssyncadd.s32 @!p0 s1  }
0x1db: {  	[bflag:$0x3] =	sbarrier.arrive $0xFFFF  }
0x1dc: {  	_ =	shalt  }

</sc_bundles>
